<compile_context>
chip_gen: v7x
topology: tpu7x:2x2x1
jax: 0.10.2.dev20260603
libtpu: 0.0.44.dev20260713+nightly
codegen_flags: <defaults>
</compile_context>

<pallas_src>
import jax
import jax.numpy as jnp
from jax import lax
from jax.experimental import pallas as pl
from jax.experimental.pallas import tpu as pltpu
from jax.experimental.pallas import tpu_sc as plsc

_MOVE_VOCAB_SIZE = 4672
_EMBED_DIM = 128
_BATCH = 4096
_HIST_LEN = 50
_B_BLK = 4

_NUM_SUBCORES = 16
_STAGE_MAIN = 288
_STAGE_REM_BASE = _STAGE_MAIN * _NUM_SUBCORES
_STAGE_REM = _MOVE_VOCAB_SIZE - _STAGE_REM_BASE


def _sc_gather(table, idx3):
    mesh = plsc.VectorSubcoreMesh(core_axis_name="core", subcore_axis_name="subcore")

    @pl.kernel(
        out_type=jax.ShapeDtypeStruct((_BATCH, _HIST_LEN, _EMBED_DIM), table.dtype),
        mesh=mesh,
        scratch_types=[
            pltpu.VMEM_SHARED((_MOVE_VOCAB_SIZE, _EMBED_DIM), jnp.float32),
            pltpu.SemaphoreType.DMA,
        ],
    )
    def kern(tab_hbm, idx_hbm, out_hbm, tab_sp, gsem):
        sid = lax.axis_index("subcore")
        base = sid * _STAGE_MAIN
        pltpu.sync_copy(
            tab_hbm.at[pl.ds(base, _STAGE_MAIN)],
            tab_sp.at[pl.ds(base, _STAGE_MAIN)],
        )

        @pl.when(sid < _STAGE_REM // 8)
        def _():
            rbase = _STAGE_REM_BASE + sid * 8
            pltpu.sync_copy(
                tab_hbm.at[pl.ds(rbase, 8)],
                tab_sp.at[pl.ds(rbase, 8)],
            )

        plsc.subcore_barrier()

        def body(i_vmem, o_vmem):
            handles = [
                pltpu.async_copy(tab_sp.at[i_vmem.at[b, 0]], o_vmem.at[b], gsem)
                for b in range(_B_BLK)
            ]
            for h in handles:
                h.wait()

        pltpu.emit_pipeline(
            body,
            grid=(_BATCH // _B_BLK,),
            in_specs=[
                pl.BlockSpec((_B_BLK, 1, _HIST_LEN), index_map=lambda i: (i, 0, 0))
            ],
            out_specs=[
                pl.BlockSpec(
                    (_B_BLK, _HIST_LEN, _EMBED_DIM), index_map=lambda i: (i, 0, 0)
                )
            ],
            core_axis_name=("core", "subcore"),
            dimension_semantics=(pltpu.PARALLEL,),
        )(idx_hbm, out_hbm)

    return kern(table, idx3)


@jax.jit
def kernel(move_index, table):
    idx3 = move_index.reshape(_BATCH, 1, _HIST_LEN)
    return jax.lax.stop_gradient(_sc_gather(table, idx3))

# --- scband reference (transcript-rebuilt; emitter-appended) ---
"""Pipeline reference for scband-move-embedding-39891656245531 (READ-ONLY COPY).

The authoritative reference and input builder live on the scoring server;
editing this copy changes nothing except your own understanding.
"""

import jax, jax.numpy as jnp
import numpy as np

MOVE_VOCAB_SIZE = 4672
EMBED_DIM = 128
BATCH = 4096
HIST_LEN = 50


def setup_inputs(seed: int = 0) -> dict:
    key = jax.random.key(seed)
    k_idx, k_tab = jax.random.split(key)
    move_index = jax.random.randint(k_idx, (BATCH, HIST_LEN), 0, MOVE_VOCAB_SIZE, dtype=jnp.int32)
    table = jax.random.normal(k_tab, (MOVE_VOCAB_SIZE, EMBED_DIM), dtype=jnp.float32)
    return {"move_index": move_index, "table": table}


def reference(move_index, table):
    # nn.Embedding lookup followed by .detach() (stop_gradient)
    out = jnp.take(table, move_index, axis=0)
    return jax.lax.stop_gradient(out)

if __name__ == "__main__":
    import jax
    _d = setup_inputs()
    print(jax.jit(kernel)(*tuple(_d.values())))

</pallas_src>

<mosaic_0001>
#map = affine_map<(d0, d1) -> (0, 0)>
#map1 = affine_map<(d0, d1) -> (0, 0, 0)>
module attributes {stable_mosaic.version = 14 : i64} {
  func.func @kern(%arg0: i32, %arg1: i32, %arg2: memref<4672x128xf32, #tpu.memory_space<hbm>>, %arg3: memref<4096x1x50xi32, #tpu.memory_space<hbm>>, %arg4: memref<4096x50x128xf32, #tpu.memory_space<hbm>>, %arg5: memref<4672x128xf32, #tpu.memory_space<vmem_shared>>, %arg6: memref<!tpu.dma_semaphore, #tpu.memory_space<semaphore_mem>>) attributes {dimension_semantics = [#tpu.dimension_semantics<core_parallel>, #tpu.dimension_semantics<subcore_parallel>], iteration_bounds = array<i64: 2, 16>, scalar_prefetch = 0 : i64, scratch_operands = 2 : i64, tpu.core_type = #tpu.core_type<sc_vector_subcore>, window_params = [{transform_indices = #map}, {transform_indices = #map1}, {transform_indices = #map1}]} {
    %mul3A = arith.constant 288 : i32
    %mul3A_0 = arith.muli %arg1, %mul3A : i32
    "tpu.region"() ({
      %run_scoped3A = tpu.sem_alloc : memref<!tpu.dma_semaphore, #tpu.memory_space<semaphore_mem>>
      %dma_start3A = arith.constant 0 : i32
      %dma_start3A_11 = tpu.memref_slice %arg5[%mul3A_0, %dma_start3A] : memref<4672x128xf32, #tpu.memory_space<vmem_shared>> -> memref<288x128xf32, #tpu.memory_space<vmem_shared>>
      %dma_start3A_12 = arith.constant 0 : i32
      %dma_start3A_13 = tpu.memref_slice %arg2[%mul3A_0, %dma_start3A_12] : memref<4672x128xf32, #tpu.memory_space<hbm>> -> memref<288x128xf32, #tpu.memory_space<hbm>>
      tpu.enqueue_dma source(%dma_start3A_13 : memref<288x128xf32, #tpu.memory_space<hbm>>) target(%dma_start3A_11 : memref<288x128xf32, #tpu.memory_space<vmem_shared>>) target_semaphore(%run_scoped3A : memref<!tpu.dma_semaphore, #tpu.memory_space<semaphore_mem>>)
      %dma_wait3A = arith.constant 0 : i32
      %dma_wait3A_14 = tpu.memref_slice %arg5[%mul3A_0, %dma_wait3A] : memref<4672x128xf32, #tpu.memory_space<vmem_shared>> -> memref<288x128xf32, #tpu.memory_space<vmem_shared>>
      %dma_wait3A_15 = arith.constant 0 : i32
      %dma_wait3A_16 = tpu.memref_slice %arg2[%mul3A_0, %dma_wait3A_15] : memref<4672x128xf32, #tpu.memory_space<hbm>> -> memref<288x128xf32, #tpu.memory_space<hbm>>
      tpu.wait_dma2 semaphore(%run_scoped3A : memref<!tpu.dma_semaphore, #tpu.memory_space<semaphore_mem>>) src(%dma_wait3A_16 : memref<288x128xf32, #tpu.memory_space<hbm>>) dst(%dma_wait3A_14 : memref<288x128xf32, #tpu.memory_space<vmem_shared>>)
      tpu.yield
    }) : () -> ()
    %lt3A = arith.constant 8 : i32
    %lt3A_1 = arith.cmpi slt, %arg1, %lt3A : i32
    %convert_element_type3A = arith.extui %lt3A_1 : i1 to i32
    %cond3A = arith.constant 0 : i32
    %cond3A_2 = arith.cmpi ne, %convert_element_type3A, %cond3A : i32
    scf.if %cond3A_2 {
      %mul3A_11 = arith.constant 8 : i32
      %mul3A_12 = arith.muli %arg1, %mul3A_11 : i32
      %add3A_13 = arith.constant 4608 : i32
      %add3A_14 = arith.addi %add3A_13, %mul3A_12 : i32
      "tpu.region"() ({
        %run_scoped3A = tpu.sem_alloc : memref<!tpu.dma_semaphore, #tpu.memory_space<semaphore_mem>>
        %dma_start3A = arith.constant 0 : i32
        %dma_start3A_15 = tpu.memref_slice %arg5[%add3A_14, %dma_start3A] : memref<4672x128xf32, #tpu.memory_space<vmem_shared>> -> memref<8x128xf32, #tpu.memory_space<vmem_shared>>
        %dma_start3A_16 = arith.constant 0 : i32
        %dma_start3A_17 = tpu.memref_slice %arg2[%add3A_14, %dma_start3A_16] : memref<4672x128xf32, #tpu.memory_space<hbm>> -> memref<8x128xf32, #tpu.memory_space<hbm>>
        tpu.enqueue_dma source(%dma_start3A_17 : memref<8x128xf32, #tpu.memory_space<hbm>>) target(%dma_start3A_15 : memref<8x128xf32, #tpu.memory_space<vmem_shared>>) target_semaphore(%run_scoped3A : memref<!tpu.dma_semaphore, #tpu.memory_space<semaphore_mem>>)
        %dma_wait3A = arith.constant 0 : i32
        %dma_wait3A_18 = tpu.memref_slice %arg5[%add3A_14, %dma_wait3A] : memref<4672x128xf32, #tpu.memory_space<vmem_shared>> -> memref<8x128xf32, #tpu.memory_space<vmem_shared>>
        %dma_wait3A_19 = arith.constant 0 : i32
        %dma_wait3A_20 = tpu.memref_slice %arg2[%add3A_14, %dma_wait3A_19] : memref<4672x128xf32, #tpu.memory_space<hbm>> -> memref<8x128xf32, #tpu.memory_space<hbm>>
        tpu.wait_dma2 semaphore(%run_scoped3A : memref<!tpu.dma_semaphore, #tpu.memory_space<semaphore_mem>>) src(%dma_wait3A_20 : memref<8x128xf32, #tpu.memory_space<hbm>>) dst(%dma_wait3A_18 : memref<8x128xf32, #tpu.memory_space<vmem_shared>>)
        tpu.yield
      }) : () -> ()
    } else {
    }
    %barrier3A = arith.constant 0 : index
    tpu.barrier barrier_id(%barrier3A)
    %mul3A_3 = arith.constant 1 : i32
    %mul3A_4 = arith.muli %arg1, %mul3A_3 : i32
    %add3A = arith.constant 0 : i32
    %add3A_5 = arith.addi %add3A, %mul3A_4 : i32
    %mul3A_6 = arith.constant 16 : i32
    %mul3A_7 = arith.muli %arg0, %mul3A_6 : i32
    %add3A_8 = arith.addi %add3A_5, %mul3A_7 : i32
    %mul3A_9 = arith.constant 32 : i32
    %mul3A_10 = arith.muli %add3A_8, %mul3A_9 : i32
    "tpu.region"() ({
      %run_scoped3A = memref.alloca() : memref<2x4x1x50xi32, #tpu.memory_space<vmem>>
      %run_scoped3A_11 = tpu.sem_alloc : memref<2x!tpu.dma_semaphore, #tpu.memory_space<semaphore_mem>>
      %run_scoped3A_12 = memref.alloca() : memref<2x4x50x128xf32, #tpu.memory_space<vmem>>
      %run_scoped3A_13 = tpu.sem_alloc : memref<2x!tpu.dma_semaphore, #tpu.memory_space<semaphore_mem>>
      %add3A_14 = arith.constant 0 : i32
      %add3A_15 = arith.addi %add3A_14, %mul3A_10 : i32
      %select_n3A = arith.constant true
      %select_n3A_16 = arith.constant 0 : i32
      %select_n3A_17 = arith.constant -1 : i32
      %select_n3A_18 = arith.select %select_n3A, %select_n3A_17, %select_n3A_16 : i32
      %eq3A = arith.constant -1 : i32
      %eq3A_19 = arith.cmpi eq, %select_n3A_18, %eq3A : i32
      %select_n3A_20 = arith.constant 31 : i32
      %select_n3A_21 = arith.select %eq3A_19, %select_n3A_20, %select_n3A_18 : i32
      %add3A_22 = arith.addi %select_n3A_21, %mul3A_10 : i32
      %select_n3A_23 = arith.constant true
      %select_n3A_24 = arith.constant 0 : i32
      %select_n3A_25 = arith.constant 1 : i32
      %select_n3A_26 = arith.select %select_n3A_23, %select_n3A_25, %select_n3A_24 : i32
      %eq3A_27 = arith.constant 32 : i32
      %eq3A_28 = arith.cmpi eq, %select_n3A_26, %eq3A_27 : i32
      %select_n3A_29 = arith.constant 0 : i32
      %select_n3A_30 = arith.select %eq3A_28, %select_n3A_29, %select_n3A_26 : i32
      %add3A_31 = arith.addi %select_n3A_30, %mul3A_10 : i32
      %add3A_32 = arith.constant 1 : i32
      %add3A_33 = arith.addi %select_n3A_30, %add3A_32 : i32
      %select_n3A_34 = arith.constant true
      %select_n3A_35 = arith.select %select_n3A_34, %add3A_33, %select_n3A_30 : i32
      %eq3A_36 = arith.constant 32 : i32
      %eq3A_37 = arith.cmpi eq, %select_n3A_35, %eq3A_36 : i32
      %select_n3A_38 = arith.constant 0 : i32
      %select_n3A_39 = arith.select %eq3A_37, %select_n3A_38, %select_n3A_35 : i32
      %add3A_40 = arith.addi %select_n3A_39, %mul3A_10 : i32
      "tpu.trace_start"() <{level = 10 : i32, message = "ep_initialize_0"}> : () -> ()
      %rem3A = arith.constant 0 : i32
      %rem3A_41 = arith.constant 2 : i32
      %rem3A_42 = arith.remui %rem3A, %rem3A_41 : i32
      %mul3A_43 = arith.constant 4 : i32
      %mul3A_44 = arith.muli %mul3A_43, %add3A_15 : i32
      %dma_start3A = arith.constant 0 : i32
      %dma_start3A_45 = arith.constant 0 : i32
      %dma_start3A_46 = arith.constant 0 : i32
      %dma_start3A_47 = tpu.memref_slice %run_scoped3A[%rem3A_42, %dma_start3A, %dma_start3A_45, %dma_start3A_46] : memref<2x4x1x50xi32, #tpu.memory_space<vmem>> -> memref<1x4x1x50xi32, #tpu.memory_space<vmem>>
      %dma_start3A_48 = tpu.memref_squeeze %dma_start3A_47 : memref<1x4x1x50xi32, #tpu.memory_space<vmem>> -> memref<4x1x50xi32, #tpu.memory_space<vmem>>
      %dma_start3A_49 = arith.constant 0 : i32
      %dma_start3A_50 = arith.constant 0 : i32
      %dma_start3A_51 = tpu.memref_slice %arg3[%mul3A_44, %dma_start3A_49, %dma_start3A_50] : memref<4096x1x50xi32, #tpu.memory_space<hbm>> -> memref<4x1x50xi32, #tpu.memory_space<hbm>>
      %dma_start3A_52 = tpu.memref_slice %run_scoped3A_11[%rem3A_42] : memref<2x!tpu.dma_semaphore, #tpu.memory_space<semaphore_mem>> -> memref<1x!tpu.dma_semaphore, #tpu.memory_space<semaphore_mem>>
      %dma_start3A_53 = tpu.memref_squeeze %dma_start3A_52 : memref<1x!tpu.dma_semaphore, #tpu.memory_space<semaphore_mem>> -> memref<!tpu.dma_semaphore, #tpu.memory_space<semaphore_mem>>
      %dma_start3A_54 = arith.constant 0 : i32
      %dma_start3A_55 = arith.constant 0 : i32
      %dma_start3A_56 = arith.constant 0 : i32
      %dma_start3A_57 = tpu.memref_slice %run_scoped3A[%rem3A_42, %dma_start3A_54, %dma_start3A_55, %dma_start3A_56] : memref<2x4x1x50xi32, #tpu.memory_space<vmem>> -> memref<1x4x1x50xi32, #tpu.memory_space<vmem>>
      %dma_start3A_58 = tpu.memref_squeeze %dma_start3A_57 : memref<1x4x1x50xi32, #tpu.memory_space<vmem>> -> memref<4x1x50xi32, #tpu.memory_space<vmem>>
      %dma_start3A_59 = arith.constant 0 : i32
      %dma_start3A_60 = arith.constant 0 : i32
      %dma_start3A_61 = tpu.memref_slice %arg3[%mul3A_44, %dma_start3A_59, %dma_start3A_60] : memref<4096x1x50xi32, #tpu.memory_space<hbm>> -> memref<4x1x50xi32, #tpu.memory_space<hbm>>
      tpu.enqueue_dma source(%dma_start3A_61 : memref<4x1x50xi32, #tpu.memory_space<hbm>>) target(%dma_start3A_58 : memref<4x1x50xi32, #tpu.memory_space<vmem>>) target_semaphore(%dma_start3A_53 : memref<!tpu.dma_semaphore, #tpu.memory_space<semaphore_mem>>)
      %add3A_62 = arith.constant 0 : i32
      %add3A_63 = arith.constant 1 : i32
      %add3A_64 = arith.addi %add3A_62, %add3A_63 : i32
      %select_n3A_65 = arith.constant true
      %select_n3A_66 = arith.constant 0 : i32
      %select_n3A_67 = arith.select %select_n3A_65, %add3A_64, %select_n3A_66 : i32
      "tpu.trace_stop"() : () -> ()
      %scan3A = arith.constant 0 : i32
      %scan3A_68 = arith.constant 0 : i32
      %scan3A_69 = arith.constant 0 : i32
      %scan3A_70 = arith.constant 0 : i32
      %scan3A_71 = arith.constant 0 : i32
      %scan3A_72 = arith.constant 32 : i32
      %scan3A_73 = arith.addi %scan3A_71, %scan3A_72 : i32
      %scan3A_74 = arith.constant 1 : i32
      %scan3A_75:5 = scf.for %scan3A_133 = %scan3A_71 to %scan3A_73 step %scan3A_74 iter_args(%scan3A_134 = %select_n3A_67, %scan3A_135 = %scan3A, %scan3A_136 = %scan3A_68, %scan3A_137 = %scan3A_69, %scan3A_138 = %scan3A_70) -> (i32, i32, i32, i32, i32)  : i32 {
        %eq3A_139 = arith.constant 0 : i32
        %eq3A_140 = arith.cmpi eq, %scan3A_133, %eq3A_139 : i32
        %eq3A_141 = arith.constant 31 : i32
        %eq3A_142 = arith.cmpi eq, %scan3A_133, %eq3A_141 : i32
        %add3A_143 = arith.addi %scan3A_138, %mul3A_10 : i32
        %sub3A_144 = arith.constant 1 : i32
        %sub3A_145 = arith.subi %scan3A_138, %sub3A_144 : i32
        %select_n3A_146 = arith.constant true
        %select_n3A_147 = arith.select %select_n3A_146, %sub3A_145, %scan3A_138 : i32
        %eq3A_148 = arith.constant -1 : i32
        %eq3A_149 = arith.cmpi eq, %select_n3A_147, %eq3A_148 : i32
        %select_n3A_150 = arith.constant 31 : i32
        %select_n3A_151 = arith.select %eq3A_149, %select_n3A_150, %select_n3A_147 : i32
        %add3A_152 = arith.addi %select_n3A_151, %mul3A_10 : i32
        %add3A_153 = arith.constant 1 : i32
        %add3A_154 = arith.addi %scan3A_138, %add3A_153 : i32
        %select_n3A_155 = arith.constant true
        %select_n3A_156 = arith.select %select_n3A_155, %add3A_154, %scan3A_138 : i32
        %eq3A_157 = arith.constant 32 : i32
        %eq3A_158 = arith.cmpi eq, %select_n3A_156, %eq3A_157 : i32
        %select_n3A_159 = arith.constant 0 : i32
        %select_n3A_160 = arith.select %eq3A_158, %select_n3A_159, %select_n3A_156 : i32
        %add3A_161 = arith.addi %select_n3A_160, %mul3A_10 : i32
        %add3A_162 = arith.constant 1 : i32
        %add3A_163 = arith.addi %select_n3A_160, %add3A_162 : i32
        %select_n3A_164 = arith.constant true
        %select_n3A_165 = arith.select %select_n3A_164, %add3A_163, %select_n3A_160 : i32
        %eq3A_166 = arith.constant 32 : i32
        %eq3A_167 = arith.cmpi eq, %select_n3A_165, %eq3A_166 : i32
        %select_n3A_168 = arith.constant 0 : i32
        %select_n3A_169 = arith.select %eq3A_167, %select_n3A_168, %select_n3A_165 : i32
        %add3A_170 = arith.addi %select_n3A_169, %mul3A_10 : i32
        %ne3A = arith.cmpi ne, %add3A_143, %add3A_161 : i32
        %or3A = arith.constant false
        %or3A_171 = arith.ori %or3A, %ne3A : i1
        %or3A_172 = arith.constant false
        %or3A_173 = arith.ori %or3A_171, %or3A_172 : i1
        %or3A_174 = arith.constant false
        %or3A_175 = arith.ori %or3A_173, %or3A_174 : i1
        %ge3A = arith.constant 31 : i32
        %ge3A_176 = arith.cmpi sge, %scan3A_133, %ge3A : i32
        %not3A = arith.constant true
        %not3A_177 = arith.xori %ge3A_176, %not3A : i1
        %and3A = arith.andi %or3A_175, %not3A_177 : i1
        %convert_element_type3A_178 = arith.extui %and3A : i1 to i32
        %cond3A_179 = arith.constant 0 : i32
        %cond3A_180 = arith.cmpi ne, %convert_element_type3A_178, %cond3A_179 : i32
        scf.if %cond3A_180 {
          "tpu.trace_start"() <{level = 10 : i32, message = "ep_copy_in"}> : () -> ()
          %rem3A_489 = arith.constant 2 : i32
          %rem3A_490 = arith.remui %scan3A_134, %rem3A_489 : i32
          %mul3A_491 = arith.constant 4 : i32
          %mul3A_492 = arith.muli %mul3A_491, %add3A_161 : i32
          %dma_start3A_493 = arith.constant 0 : i32
          %dma_start3A_494 = arith.constant 0 : i32
          %dma_start3A_495 = arith.constant 0 : i32
          %dma_start3A_496 = tpu.memref_slice %run_scoped3A[%rem3A_490, %dma_start3A_493, %dma_start3A_494, %dma_start3A_495] : memref<2x4x1x50xi32, #tpu.memory_space<vmem>> -> memref<1x4x1x50xi32, #tpu.memory_space<vmem>>
          %dma_start3A_497 = tpu.memref_squeeze %dma_start3A_496 : memref<1x4x1x50xi32, #tpu.memory_space<vmem>> -> memref<4x1x50xi32, #tpu.memory_space<vmem>>
          %dma_start3A_498 = arith.constant 0 : i32
          %dma_start3A_499 = arith.constant 0 : i32
          %dma_start3A_500 = tpu.memref_slice %arg3[%mul3A_492, %dma_start3A_498, %dma_start3A_499] : memref<4096x1x50xi32, #tpu.memory_space<hbm>> -> memref<4x1x50xi32, #tpu.memory_space<hbm>>
          %dma_start3A_501 = tpu.memref_slice %run_scoped3A_11[%rem3A_490] : memref<2x!tpu.dma_semaphore, #tpu.memory_space<semaphore_mem>> -> memref<1x!tpu.dma_semaphore, #tpu.memory_space<semaphore_mem>>
          %dma_start3A_502 = tpu.memref_squeeze %dma_start3A_501 : memref<1x!tpu.dma_semaphore, #tpu.memory_space<semaphore_mem>> -> memref<!tpu.dma_semaphore, #tpu.memory_space<semaphore_mem>>
          %dma_start3A_503 = arith.constant 0 : i32
          %dma_start3A_504 = arith.constant 0 : i32
          %dma_start3A_505 = arith.constant 0 : i32
          %dma_start3A_506 = tpu.memref_slice %run_scoped3A[%rem3A_490, %dma_start3A_503, %dma_start3A_504, %dma_start3A_505] : memref<2x4x1x50xi32, #tpu.memory_space<vmem>> -> memref<1x4x1x50xi32, #tpu.memory_space<vmem>>
          %dma_start3A_507 = tpu.memref_squeeze %dma_start3A_506 : memref<1x4x1x50xi32, #tpu.memory_space<vmem>> -> memref<4x1x50xi32, #tpu.memory_space<vmem>>
          %dma_start3A_508 = arith.constant 0 : i32
          %dma_start3A_509 = arith.constant 0 : i32
          %dma_start3A_510 = tpu.memref_slice %arg3[%mul3A_492, %dma_start3A_508, %dma_start3A_509] : memref<4096x1x50xi32, #tpu.memory_space<hbm>> -> memref<4x1x50xi32, #tpu.memory_space<hbm>>
          tpu.enqueue_dma source(%dma_start3A_510 : memref<4x1x50xi32, #tpu.memory_space<hbm>>) target(%dma_start3A_507 : memref<4x1x50xi32, #tpu.memory_space<vmem>>) target_semaphore(%dma_start3A_502 : memref<!tpu.dma_semaphore, #tpu.memory_space<semaphore_mem>>)
          "tpu.trace_stop"() : () -> ()
        } else {
        }
        %and3A_181 = arith.constant true
        %and3A_182 = arith.andi %and3A, %and3A_181 : i1
        %add3A_183 = arith.constant 1 : i32
        %add3A_184 = arith.addi %scan3A_134, %add3A_183 : i32
        %select_n3A_185 = arith.select %and3A_182, %add3A_184, %scan3A_134 : i32
        %ne3A_186 = arith.cmpi ne, %add3A_143, %add3A_161 : i32
        %or3A_187 = arith.constant false
        %or3A_188 = arith.ori %or3A_187, %ne3A_186 : i1
        %or3A_189 = arith.constant false
        %or3A_190 = arith.ori %or3A_188, %or3A_189 : i1
        %or3A_191 = arith.constant false
        %or3A_192 = arith.ori %or3A_190, %or3A_191 : i1
        %ge3A_193 = arith.constant 31 : i32
        %ge3A_194 = arith.cmpi sge, %scan3A_133, %ge3A_193 : i32
        %not3A_195 = arith.constant true
        %not3A_196 = arith.xori %ge3A_194, %not3A_195 : i1
        %and3A_197 = arith.andi %or3A_192, %not3A_196 : i1
        %ne3A_198 = arith.cmpi ne, %add3A_143, %add3A_152 : i32
        %or3A_199 = arith.constant false
        %or3A_200 = arith.ori %or3A_199, %ne3A_198 : i1
        %or3A_201 = arith.constant false
        %or3A_202 = arith.ori %or3A_200, %or3A_201 : i1
        %or3A_203 = arith.constant false
        %or3A_204 = arith.ori %or3A_202, %or3A_203 : i1
        %or3A_205 = arith.ori %or3A_204, %eq3A_140 : i1
        %convert_element_type3A_206 = arith.extui %or3A_205 : i1 to i32
        %cond3A_207 = arith.constant 0 : i32
        %cond3A_208 = arith.cmpi ne, %convert_element_type3A_206, %cond3A_207 : i32
        scf.if %cond3A_208 {
          "tpu.trace_start"() <{level = 10 : i32, message = "ep_wait_in"}> : () -> ()
          %mul3A_489 = arith.constant 4 : i32
          %mul3A_490 = arith.muli %mul3A_489, %add3A_143 : i32
          %rem3A_491 = arith.constant 2 : i32
          %rem3A_492 = arith.remui %scan3A_135, %rem3A_491 : i32
          %dma_wait3A_493 = arith.constant 0 : i32
          %dma_wait3A_494 = arith.constant 0 : i32
          %dma_wait3A_495 = arith.constant 0 : i32
          %dma_wait3A_496 = tpu.memref_slice %run_scoped3A[%rem3A_492, %dma_wait3A_493, %dma_wait3A_494, %dma_wait3A_495] : memref<2x4x1x50xi32, #tpu.memory_space<vmem>> -> memref<1x4x1x50xi32, #tpu.memory_space<vmem>>
          %dma_wait3A_497 = tpu.memref_squeeze %dma_wait3A_496 : memref<1x4x1x50xi32, #tpu.memory_space<vmem>> -> memref<4x1x50xi32, #tpu.memory_space<vmem>>
          %dma_wait3A_498 = arith.constant 0 : i32
          %dma_wait3A_499 = arith.constant 0 : i32
          %dma_wait3A_500 = tpu.memref_slice %arg3[%mul3A_490, %dma_wait3A_498, %dma_wait3A_499] : memref<4096x1x50xi32, #tpu.memory_space<hbm>> -> memref<4x1x50xi32, #tpu.memory_space<hbm>>
          %dma_wait3A_501 = tpu.memref_slice %run_scoped3A_11[%rem3A_492] : memref<2x!tpu.dma_semaphore, #tpu.memory_space<semaphore_mem>> -> memref<1x!tpu.dma_semaphore, #tpu.memory_space<semaphore_mem>>
          %dma_wait3A_502 = tpu.memref_squeeze %dma_wait3A_501 : memref<1x!tpu.dma_semaphore, #tpu.memory_space<semaphore_mem>> -> memref<!tpu.dma_semaphore, #tpu.memory_space<semaphore_mem>>
          %dma_wait3A_503 = arith.constant 0 : i32
          %dma_wait3A_504 = arith.constant 0 : i32
          %dma_wait3A_505 = arith.constant 0 : i32
          %dma_wait3A_506 = tpu.memref_slice %run_scoped3A[%rem3A_492, %dma_wait3A_503, %dma_wait3A_504, %dma_wait3A_505] : memref<2x4x1x50xi32, #tpu.memory_space<vmem>> -> memref<1x4x1x50xi32, #tpu.memory_space<vmem>>
          %dma_wait3A_507 = tpu.memref_squeeze %dma_wait3A_506 : memref<1x4x1x50xi32, #tpu.memory_space<vmem>> -> memref<4x1x50xi32, #tpu.memory_space<vmem>>
          %dma_wait3A_508 = arith.constant 0 : i32
          %dma_wait3A_509 = arith.constant 0 : i32
          %dma_wait3A_510 = tpu.memref_slice %arg3[%mul3A_490, %dma_wait3A_508, %dma_wait3A_509] : memref<4096x1x50xi32, #tpu.memory_space<hbm>> -> memref<4x1x50xi32, #tpu.memory_space<hbm>>
          tpu.wait_dma2 semaphore(%dma_wait3A_502 : memref<!tpu.dma_semaphore, #tpu.memory_space<semaphore_mem>>) src(%dma_wait3A_510 : memref<4x1x50xi32, #tpu.memory_space<hbm>>) dst(%dma_wait3A_507 : memref<4x1x50xi32, #tpu.memory_space<vmem>>)
          "tpu.trace_stop"() : () -> ()
        } else {
        }
        %ne3A_209 = arith.cmpi ne, %add3A_143, %add3A_152 : i32
        %or3A_210 = arith.constant false
        %or3A_211 = arith.ori %or3A_210, %ne3A_209 : i1
        %or3A_212 = arith.constant false
        %or3A_213 = arith.ori %or3A_211, %or3A_212 : i1
        %or3A_214 = arith.constant false
        %or3A_215 = arith.ori %or3A_213, %or3A_214 : i1
        %or3A_216 = arith.ori %or3A_215, %eq3A_140 : i1
        %convert_element_type3A_217 = arith.extui %or3A_216 : i1 to i32
        %cond3A_218 = arith.constant 0 : i32
        %cond3A_219 = arith.cmpi ne, %convert_element_type3A_217, %cond3A_218 : i32
        scf.if %cond3A_219 {
        } else {
        }
        %rem3A_220 = arith.constant 2 : i32
        %rem3A_221 = arith.remui %scan3A_135, %rem3A_220 : i32
        %rem3A_222 = arith.constant 2 : i32
        %rem3A_223 = arith.remui %scan3A_136, %rem3A_222 : i32
        %dma_start3A_224 = arith.constant 0 : i32
        %dma_start3A_225 = arith.constant 0 : i32
        %dma_start3A_226 = arith.constant 0 : i32
        "tpu.trace_start"() <{level = 10 : i32, message = "ep_run_kernel"}> : () -> ()
        %dma_start3A_227 = arith.constant 0 : i32
        %dma_start3A_228 = arith.constant 0 : i32
        %dma_start3A_229 = arith.constant 0 : i32
        %dma_start3A_230 = tpu.memref_slice %run_scoped3A_12[%rem3A_223, %dma_start3A_227, %dma_start3A_228, %dma_start3A_229] : memref<2x4x50x128xf32, #tpu.memory_space<vmem>> -> memref<1x4x50x128xf32, #tpu.memory_space<vmem>>
        %dma_start3A_231 = tpu.memref_squeeze %dma_start3A_230 : memref<1x4x50x128xf32, #tpu.memory_space<vmem>> -> memref<4x50x128xf32, #tpu.memory_space<vmem>>
        %dma_start3A_232 = arith.constant 0 : i32
        %dma_start3A_233 = arith.constant 0 : i32
        %dma_start3A_234 = tpu.memref_slice %dma_start3A_231[%dma_start3A_226, %dma_start3A_232, %dma_start3A_233] : memref<4x50x128xf32, #tpu.memory_space<vmem>> -> memref<1x50x128xf32, #tpu.memory_space<vmem>>
        %dma_start3A_235 = tpu.memref_squeeze %dma_start3A_234 : memref<1x50x128xf32, #tpu.memory_space<vmem>> -> memref<50x128xf32, #tpu.memory_space<vmem>>
        %dma_start3A_236 = arith.constant 0 : i32
        %dma_start3A_237 = arith.constant 0 : i32
        %dma_start3A_238 = arith.constant 0 : i32
        %dma_start3A_239 = tpu.memref_slice %run_scoped3A[%rem3A_221, %dma_start3A_236, %dma_start3A_237, %dma_start3A_238] : memref<2x4x1x50xi32, #tpu.memory_space<vmem>> -> memref<1x4x1x50xi32, #tpu.memory_space<vmem>>
        %dma_start3A_240 = tpu.memref_squeeze %dma_start3A_239 : memref<1x4x1x50xi32, #tpu.memory_space<vmem>> -> memref<4x1x50xi32, #tpu.memory_space<vmem>>
        %dma_start3A_241 = arith.constant 0 : i32
        %dma_start3A_242 = tpu.memref_slice %dma_start3A_240[%dma_start3A_224, %dma_start3A_225, %dma_start3A_241] : memref<4x1x50xi32, #tpu.memory_space<vmem>> -> memref<1x1x50xi32, #tpu.memory_space<vmem>>
        %dma_start3A_243 = tpu.memref_squeeze %dma_start3A_242 : memref<1x1x50xi32, #tpu.memory_space<vmem>> -> memref<50xi32, #tpu.memory_space<vmem>>
        %dma_start3A_244 = arith.constant 0 : i32
        %dma_start3A_245 = arith.constant 0 : i32
        %dma_start3A_246 = tpu.memref_slice %arg5[%dma_start3A_244, %dma_start3A_245] : memref<4672x128xf32, #tpu.memory_space<vmem_shared>> -> memref<4672x128xf32, #tpu.memory_space<vmem_shared>>
        tpu.enqueue_indirect_dma source(%dma_start3A_246 : memref<4672x128xf32, #tpu.memory_space<vmem_shared>>) target(%dma_start3A_235 : memref<50x128xf32, #tpu.memory_space<vmem>>) offsets(%dma_start3A_243 : memref<50xi32, #tpu.memory_space<vmem>>) semaphore(%arg6 : memref<!tpu.dma_semaphore, #tpu.memory_space<semaphore_mem>>)
        %dma_start3A_247 = arith.constant 1 : i32
        %dma_start3A_248 = arith.constant 0 : i32
        %dma_start3A_249 = arith.constant 1 : i32
        %dma_start3A_250 = arith.constant 0 : i32
        %dma_start3A_251 = arith.constant 0 : i32
        %dma_start3A_252 = arith.constant 0 : i32
        %dma_start3A_253 = tpu.memref_slice %run_scoped3A_12[%rem3A_223, %dma_start3A_250, %dma_start3A_251, %dma_start3A_252] : memref<2x4x50x128xf32, #tpu.memory_space<vmem>> -> memref<1x4x50x128xf32, #tpu.memory_space<vmem>>
        %dma_start3A_254 = tpu.memref_squeeze %dma_start3A_253 : memref<1x4x50x128xf32, #tpu.memory_space<vmem>> -> memref<4x50x128xf32, #tpu.memory_space<vmem>>
        %dma_start3A_255 = arith.constant 0 : i32
        %dma_start3A_256 = arith.constant 0 : i32
        %dma_start3A_257 = tpu.memref_slice %dma_start3A_254[%dma_start3A_249, %dma_start3A_255, %dma_start3A_256] : memref<4x50x128xf32, #tpu.memory_space<vmem>> -> memref<1x50x128xf32, #tpu.memory_space<vmem>>
        %dma_start3A_258 = tpu.memref_squeeze %dma_start3A_257 : memref<1x50x128xf32, #tpu.memory_space<vmem>> -> memref<50x128xf32, #tpu.memory_space<vmem>>
        %dma_start3A_259 = arith.constant 0 : i32
        %dma_start3A_260 = arith.constant 0 : i32
        %dma_start3A_261 = arith.constant 0 : i32
        %dma_start3A_262 = tpu.memref_slice %run_scoped3A[%rem3A_221, %dma_start3A_259, %dma_start3A_260, %dma_start3A_261] : memref<2x4x1x50xi32, #tpu.memory_space<vmem>> -> memref<1x4x1x50xi32, #tpu.memory_space<vmem>>
        %dma_start3A_263 = tpu.memref_squeeze %dma_start3A_262 : memref<1x4x1x50xi32, #tpu.memory_space<vmem>> -> memref<4x1x50xi32, #tpu.memory_space<vmem>>
        %dma_start3A_264 = arith.constant 0 : i32
        %dma_start3A_265 = tpu.memref_slice %dma_start3A_263[%dma_start3A_247, %dma_start3A_248, %dma_start3A_264] : memref<4x1x50xi32, #tpu.memory_space<vmem>> -> memref<1x1x50xi32, #tpu.memory_space<vmem>>
        %dma_start3A_266 = tpu.memref_squeeze %dma_start3A_265 : memref<1x1x50xi32, #tpu.memory_space<vmem>> -> memref<50xi32, #tpu.memory_space<vmem>>
        %dma_start3A_267 = arith.constant 0 : i32
        %dma_start3A_268 = arith.constant 0 : i32
        %dma_start3A_269 = tpu.memref_slice %arg5[%dma_start3A_267, %dma_start3A_268] : memref<4672x128xf32, #tpu.memory_space<vmem_shared>> -> memref<4672x128xf32, #tpu.memory_space<vmem_shared>>
        tpu.enqueue_indirect_dma source(%dma_start3A_269 : memref<4672x128xf32, #tpu.memory_space<vmem_shared>>) target(%dma_start3A_258 : memref<50x128xf32, #tpu.memory_space<vmem>>) offsets(%dma_start3A_266 : memref<50xi32, #tpu.memory_space<vmem>>) semaphore(%arg6 : memref<!tpu.dma_semaphore, #tpu.memory_space<semaphore_mem>>)
        %dma_start3A_270 = arith.constant 2 : i32
        %dma_start3A_271 = arith.constant 0 : i32
        %dma_start3A_272 = arith.constant 2 : i32
        %dma_start3A_273 = arith.constant 0 : i32
        %dma_start3A_274 = arith.constant 0 : i32
        %dma_start3A_275 = arith.constant 0 : i32
        %dma_start3A_276 = tpu.memref_slice %run_scoped3A_12[%rem3A_223, %dma_start3A_273, %dma_start3A_274, %dma_start3A_275] : memref<2x4x50x128xf32, #tpu.memory_space<vmem>> -> memref<1x4x50x128xf32, #tpu.memory_space<vmem>>
        %dma_start3A_277 = tpu.memref_squeeze %dma_start3A_276 : memref<1x4x50x128xf32, #tpu.memory_space<vmem>> -> memref<4x50x128xf32, #tpu.memory_space<vmem>>
        %dma_start3A_278 = arith.constant 0 : i32
        %dma_start3A_279 = arith.constant 0 : i32
        %dma_start3A_280 = tpu.memref_slice %dma_start3A_277[%dma_start3A_272, %dma_start3A_278, %dma_start3A_279] : memref<4x50x128xf32, #tpu.memory_space<vmem>> -> memref<1x50x128xf32, #tpu.memory_space<vmem>>
        %dma_start3A_281 = tpu.memref_squeeze %dma_start3A_280 : memref<1x50x128xf32, #tpu.memory_space<vmem>> -> memref<50x128xf32, #tpu.memory_space<vmem>>
        %dma_start3A_282 = arith.constant 0 : i32
        %dma_start3A_283 = arith.constant 0 : i32
        %dma_start3A_284 = arith.constant 0 : i32
        %dma_start3A_285 = tpu.memref_slice %run_scoped3A[%rem3A_221, %dma_start3A_282, %dma_start3A_283, %dma_start3A_284] : memref<2x4x1x50xi32, #tpu.memory_space<vmem>> -> memref<1x4x1x50xi32, #tpu.memory_space<vmem>>
        %dma_start3A_286 = tpu.memref_squeeze %dma_start3A_285 : memref<1x4x1x50xi32, #tpu.memory_space<vmem>> -> memref<4x1x50xi32, #tpu.memory_space<vmem>>
        %dma_start3A_287 = arith.constant 0 : i32
        %dma_start3A_288 = tpu.memref_slice %dma_start3A_286[%dma_start3A_270, %dma_start3A_271, %dma_start3A_287] : memref<4x1x50xi32, #tpu.memory_space<vmem>> -> memref<1x1x50xi32, #tpu.memory_space<vmem>>
        %dma_start3A_289 = tpu.memref_squeeze %dma_start3A_288 : memref<1x1x50xi32, #tpu.memory_space<vmem>> -> memref<50xi32, #tpu.memory_space<vmem>>
        %dma_start3A_290 = arith.constant 0 : i32
        %dma_start3A_291 = arith.constant 0 : i32
        %dma_start3A_292 = tpu.memref_slice %arg5[%dma_start3A_290, %dma_start3A_291] : memref<4672x128xf32, #tpu.memory_space<vmem_shared>> -> memref<4672x128xf32, #tpu.memory_space<vmem_shared>>
        tpu.enqueue_indirect_dma source(%dma_start3A_292 : memref<4672x128xf32, #tpu.memory_space<vmem_shared>>) target(%dma_start3A_281 : memref<50x128xf32, #tpu.memory_space<vmem>>) offsets(%dma_start3A_289 : memref<50xi32, #tpu.memory_space<vmem>>) semaphore(%arg6 : memref<!tpu.dma_semaphore, #tpu.memory_space<semaphore_mem>>)
        %dma_start3A_293 = arith.constant 3 : i32
        %dma_start3A_294 = arith.constant 0 : i32
        %dma_start3A_295 = arith.constant 3 : i32
        %dma_start3A_296 = arith.constant 0 : i32
        %dma_start3A_297 = arith.constant 0 : i32
        %dma_start3A_298 = arith.constant 0 : i32
        %dma_start3A_299 = tpu.memref_slice %run_scoped3A_12[%rem3A_223, %dma_start3A_296, %dma_start3A_297, %dma_start3A_298] : memref<2x4x50x128xf32, #tpu.memory_space<vmem>> -> memref<1x4x50x128xf32, #tpu.memory_space<vmem>>
        %dma_start3A_300 = tpu.memref_squeeze %dma_start3A_299 : memref<1x4x50x128xf32, #tpu.memory_space<vmem>> -> memref<4x50x128xf32, #tpu.memory_space<vmem>>
        %dma_start3A_301 = arith.constant 0 : i32
        %dma_start3A_302 = arith.constant 0 : i32
        %dma_start3A_303 = tpu.memref_slice %dma_start3A_300[%dma_start3A_295, %dma_start3A_301, %dma_start3A_302] : memref<4x50x128xf32, #tpu.memory_space<vmem>> -> memref<1x50x128xf32, #tpu.memory_space<vmem>>
        %dma_start3A_304 = tpu.memref_squeeze %dma_start3A_303 : memref<1x50x128xf32, #tpu.memory_space<vmem>> -> memref<50x128xf32, #tpu.memory_space<vmem>>
        %dma_start3A_305 = arith.constant 0 : i32
        %dma_start3A_306 = arith.constant 0 : i32
        %dma_start3A_307 = arith.constant 0 : i32
        %dma_start3A_308 = tpu.memref_slice %run_scoped3A[%rem3A_221, %dma_start3A_305, %dma_start3A_306, %dma_start3A_307] : memref<2x4x1x50xi32, #tpu.memory_space<vmem>> -> memref<1x4x1x50xi32, #tpu.memory_space<vmem>>
        %dma_start3A_309 = tpu.memref_squeeze %dma_start3A_308 : memref<1x4x1x50xi32, #tpu.memory_space<vmem>> -> memref<4x1x50xi32, #tpu.memory_space<vmem>>
        %dma_start3A_310 = arith.constant 0 : i32
        %dma_start3A_311 = tpu.memref_slice %dma_start3A_309[%dma_start3A_293, %dma_start3A_294, %dma_start3A_310] : memref<4x1x50xi32, #tpu.memory_space<vmem>> -> memref<1x1x50xi32, #tpu.memory_space<vmem>>
        %dma_start3A_312 = tpu.memref_squeeze %dma_start3A_311 : memref<1x1x50xi32, #tpu.memory_space<vmem>> -> memref<50xi32, #tpu.memory_space<vmem>>
        %dma_start3A_313 = arith.constant 0 : i32
        %dma_start3A_314 = arith.constant 0 : i32
        %dma_start3A_315 = tpu.memref_slice %arg5[%dma_start3A_313, %dma_start3A_314] : memref<4672x128xf32, #tpu.memory_space<vmem_shared>> -> memref<4672x128xf32, #tpu.memory_space<vmem_shared>>
        tpu.enqueue_indirect_dma source(%dma_start3A_315 : memref<4672x128xf32, #tpu.memory_space<vmem_shared>>) target(%dma_start3A_304 : memref<50x128xf32, #tpu.memory_space<vmem>>) offsets(%dma_start3A_312 : memref<50xi32, #tpu.memory_space<vmem>>) semaphore(%arg6 : memref<!tpu.dma_semaphore, #tpu.memory_space<semaphore_mem>>)
        %dma_wait3A_316 = arith.constant 0 : i32
        %dma_wait3A_317 = arith.constant 0 : i32
        %dma_wait3A_318 = arith.constant 0 : i32
        %dma_wait3A_319 = arith.constant 0 : i32
        %dma_wait3A_320 = arith.constant 0 : i32
        %dma_wait3A_321 = arith.constant 0 : i32
        %dma_wait3A_322 = tpu.memref_slice %run_scoped3A_12[%rem3A_223, %dma_wait3A_319, %dma_wait3A_320, %dma_wait3A_321] : memref<2x4x50x128xf32, #tpu.memory_space<vmem>> -> memref<1x4x50x128xf32, #tpu.memory_space<vmem>>
        %dma_wait3A_323 = tpu.memref_squeeze %dma_wait3A_322 : memref<1x4x50x128xf32, #tpu.memory_space<vmem>> -> memref<4x50x128xf32, #tpu.memory_space<vmem>>
        %dma_wait3A_324 = arith.constant 0 : i32
        %dma_wait3A_325 = arith.constant 0 : i32
        %dma_wait3A_326 = tpu.memref_slice %dma_wait3A_323[%dma_wait3A_318, %dma_wait3A_324, %dma_wait3A_325] : memref<4x50x128xf32, #tpu.memory_space<vmem>> -> memref<1x50x128xf32, #tpu.memory_space<vmem>>
        %dma_wait3A_327 = tpu.memref_squeeze %dma_wait3A_326 : memref<1x50x128xf32, #tpu.memory_space<vmem>> -> memref<50x128xf32, #tpu.memory_space<vmem>>
        %dma_wait3A_328 = arith.constant 0 : i32
        %dma_wait3A_329 = arith.constant 0 : i32
        %dma_wait3A_330 = arith.constant 0 : i32
        %dma_wait3A_331 = tpu.memref_slice %run_scoped3A[%rem3A_221, %dma_wait3A_328, %dma_wait3A_329, %dma_wait3A_330] : memref<2x4x1x50xi32, #tpu.memory_space<vmem>> -> memref<1x4x1x50xi32, #tpu.memory_space<vmem>>
        %dma_wait3A_332 = tpu.memref_squeeze %dma_wait3A_331 : memref<1x4x1x50xi32, #tpu.memory_space<vmem>> -> memref<4x1x50xi32, #tpu.memory_space<vmem>>
        %dma_wait3A_333 = arith.constant 0 : i32
        %dma_wait3A_334 = tpu.memref_slice %dma_wait3A_332[%dma_wait3A_316, %dma_wait3A_317, %dma_wait3A_333] : memref<4x1x50xi32, #tpu.memory_space<vmem>> -> memref<1x1x50xi32, #tpu.memory_space<vmem>>
        %dma_wait3A_335 = tpu.memref_squeeze %dma_wait3A_334 : memref<1x1x50xi32, #tpu.memory_space<vmem>> -> memref<50xi32, #tpu.memory_space<vmem>>
        %dma_wait3A_336 = arith.constant 0 : i32
        %dma_wait3A_337 = arith.constant 0 : i32
        %dma_wait3A_338 = tpu.memref_slice %arg5[%dma_wait3A_336, %dma_wait3A_337] : memref<4672x128xf32, #tpu.memory_space<vmem_shared>> -> memref<4672x128xf32, #tpu.memory_space<vmem_shared>>
        tpu.wait_indirect_dma semaphore(%arg6 : memref<!tpu.dma_semaphore, #tpu.memory_space<semaphore_mem>>) src(%dma_wait3A_338 : memref<4672x128xf32, #tpu.memory_space<vmem_shared>>) dst(%dma_wait3A_327 : memref<50x128xf32, #tpu.memory_space<vmem>>)
        %dma_wait3A_339 = arith.constant 1 : i32
        %dma_wait3A_340 = arith.constant 0 : i32
        %dma_wait3A_341 = arith.constant 1 : i32
        %dma_wait3A_342 = arith.constant 0 : i32
        %dma_wait3A_343 = arith.constant 0 : i32
        %dma_wait3A_344 = arith.constant 0 : i32
        %dma_wait3A_345 = tpu.memref_slice %run_scoped3A_12[%rem3A_223, %dma_wait3A_342, %dma_wait3A_343, %dma_wait3A_344] : memref<2x4x50x128xf32, #tpu.memory_space<vmem>> -> memref<1x4x50x128xf32, #tpu.memory_space<vmem>>
        %dma_wait3A_346 = tpu.memref_squeeze %dma_wait3A_345 : memref<1x4x50x128xf32, #tpu.memory_space<vmem>> -> memref<4x50x128xf32, #tpu.memory_space<vmem>>
        %dma_wait3A_347 = arith.constant 0 : i32
        %dma_wait3A_348 = arith.constant 0 : i32
        %dma_wait3A_349 = tpu.memref_slice %dma_wait3A_346[%dma_wait3A_341, %dma_wait3A_347, %dma_wait3A_348] : memref<4x50x128xf32, #tpu.memory_space<vmem>> -> memref<1x50x128xf32, #tpu.memory_space<vmem>>
        %dma_wait3A_350 = tpu.memref_squeeze %dma_wait3A_349 : memref<1x50x128xf32, #tpu.memory_space<vmem>> -> memref<50x128xf32, #tpu.memory_space<vmem>>
        %dma_wait3A_351 = arith.constant 0 : i32
        %dma_wait3A_352 = arith.constant 0 : i32
        %dma_wait3A_353 = arith.constant 0 : i32
        %dma_wait3A_354 = tpu.memref_slice %run_scoped3A[%rem3A_221, %dma_wait3A_351, %dma_wait3A_352, %dma_wait3A_353] : memref<2x4x1x50xi32, #tpu.memory_space<vmem>> -> memref<1x4x1x50xi32, #tpu.memory_space<vmem>>
        %dma_wait3A_355 = tpu.memref_squeeze %dma_wait3A_354 : memref<1x4x1x50xi32, #tpu.memory_space<vmem>> -> memref<4x1x50xi32, #tpu.memory_space<vmem>>
        %dma_wait3A_356 = arith.constant 0 : i32
        %dma_wait3A_357 = tpu.memref_slice %dma_wait3A_355[%dma_wait3A_339, %dma_wait3A_340, %dma_wait3A_356] : memref<4x1x50xi32, #tpu.memory_space<vmem>> -> memref<1x1x50xi32, #tpu.memory_space<vmem>>
        %dma_wait3A_358 = tpu.memref_squeeze %dma_wait3A_357 : memref<1x1x50xi32, #tpu.memory_space<vmem>> -> memref<50xi32, #tpu.memory_space<vmem>>
        %dma_wait3A_359 = arith.constant 0 : i32
        %dma_wait3A_360 = arith.constant 0 : i32
        %dma_wait3A_361 = tpu.memref_slice %arg5[%dma_wait3A_359, %dma_wait3A_360] : memref<4672x128xf32, #tpu.memory_space<vmem_shared>> -> memref<4672x128xf32, #tpu.memory_space<vmem_shared>>
        tpu.wait_indirect_dma semaphore(%arg6 : memref<!tpu.dma_semaphore, #tpu.memory_space<semaphore_mem>>) src(%dma_wait3A_361 : memref<4672x128xf32, #tpu.memory_space<vmem_shared>>) dst(%dma_wait3A_350 : memref<50x128xf32, #tpu.memory_space<vmem>>)
        %dma_wait3A_362 = arith.constant 2 : i32
        %dma_wait3A_363 = arith.constant 0 : i32
        %dma_wait3A_364 = arith.constant 2 : i32
        %dma_wait3A_365 = arith.constant 0 : i32
        %dma_wait3A_366 = arith.constant 0 : i32
        %dma_wait3A_367 = arith.constant 0 : i32
        %dma_wait3A_368 = tpu.memref_slice %run_scoped3A_12[%rem3A_223, %dma_wait3A_365, %dma_wait3A_366, %dma_wait3A_367] : memref<2x4x50x128xf32, #tpu.memory_space<vmem>> -> memref<1x4x50x128xf32, #tpu.memory_space<vmem>>
        %dma_wait3A_369 = tpu.memref_squeeze %dma_wait3A_368 : memref<1x4x50x128xf32, #tpu.memory_space<vmem>> -> memref<4x50x128xf32, #tpu.memory_space<vmem>>
        %dma_wait3A_370 = arith.constant 0 : i32
        %dma_wait3A_371 = arith.constant 0 : i32
        %dma_wait3A_372 = tpu.memref_slice %dma_wait3A_369[%dma_wait3A_364, %dma_wait3A_370, %dma_wait3A_371] : memref<4x50x128xf32, #tpu.memory_space<vmem>> -> memref<1x50x128xf32, #tpu.memory_space<vmem>>
        %dma_wait3A_373 = tpu.memref_squeeze %dma_wait3A_372 : memref<1x50x128xf32, #tpu.memory_space<vmem>> -> memref<50x128xf32, #tpu.memory_space<vmem>>
        %dma_wait3A_374 = arith.constant 0 : i32
        %dma_wait3A_375 = arith.constant 0 : i32
        %dma_wait3A_376 = arith.constant 0 : i32
        %dma_wait3A_377 = tpu.memref_slice %run_scoped3A[%rem3A_221, %dma_wait3A_374, %dma_wait3A_375, %dma_wait3A_376] : memref<2x4x1x50xi32, #tpu.memory_space<vmem>> -> memref<1x4x1x50xi32, #tpu.memory_space<vmem>>
        %dma_wait3A_378 = tpu.memref_squeeze %dma_wait3A_377 : memref<1x4x1x50xi32, #tpu.memory_space<vmem>> -> memref<4x1x50xi32, #tpu.memory_space<vmem>>
        %dma_wait3A_379 = arith.constant 0 : i32
        %dma_wait3A_380 = tpu.memref_slice %dma_wait3A_378[%dma_wait3A_362, %dma_wait3A_363, %dma_wait3A_379] : memref<4x1x50xi32, #tpu.memory_space<vmem>> -> memref<1x1x50xi32, #tpu.memory_space<vmem>>
        %dma_wait3A_381 = tpu.memref_squeeze %dma_wait3A_380 : memref<1x1x50xi32, #tpu.memory_space<vmem>> -> memref<50xi32, #tpu.memory_space<vmem>>
        %dma_wait3A_382 = arith.constant 0 : i32
        %dma_wait3A_383 = arith.constant 0 : i32
        %dma_wait3A_384 = tpu.memref_slice %arg5[%dma_wait3A_382, %dma_wait3A_383] : memref<4672x128xf32, #tpu.memory_space<vmem_shared>> -> memref<4672x128xf32, #tpu.memory_space<vmem_shared>>
        tpu.wait_indirect_dma semaphore(%arg6 : memref<!tpu.dma_semaphore, #tpu.memory_space<semaphore_mem>>) src(%dma_wait3A_384 : memref<4672x128xf32, #tpu.memory_space<vmem_shared>>) dst(%dma_wait3A_373 : memref<50x128xf32, #tpu.memory_space<vmem>>)
        %dma_wait3A_385 = arith.constant 3 : i32
        %dma_wait3A_386 = arith.constant 0 : i32
        %dma_wait3A_387 = arith.constant 3 : i32
        %dma_wait3A_388 = arith.constant 0 : i32
        %dma_wait3A_389 = arith.constant 0 : i32
        %dma_wait3A_390 = arith.constant 0 : i32
        %dma_wait3A_391 = tpu.memref_slice %run_scoped3A_12[%rem3A_223, %dma_wait3A_388, %dma_wait3A_389, %dma_wait3A_390] : memref<2x4x50x128xf32, #tpu.memory_space<vmem>> -> memref<1x4x50x128xf32, #tpu.memory_space<vmem>>
        %dma_wait3A_392 = tpu.memref_squeeze %dma_wait3A_391 : memref<1x4x50x128xf32, #tpu.memory_space<vmem>> -> memref<4x50x128xf32, #tpu.memory_space<vmem>>
        %dma_wait3A_393 = arith.constant 0 : i32
        %dma_wait3A_394 = arith.constant 0 : i32
        %dma_wait3A_395 = tpu.memref_slice %dma_wait3A_392[%dma_wait3A_387, %dma_wait3A_393, %dma_wait3A_394] : memref<4x50x128xf32, #tpu.memory_space<vmem>> -> memref<1x50x128xf32, #tpu.memory_space<vmem>>
        %dma_wait3A_396 = tpu.memref_squeeze %dma_wait3A_395 : memref<1x50x128xf32, #tpu.memory_space<vmem>> -> memref<50x128xf32, #tpu.memory_space<vmem>>
        %dma_wait3A_397 = arith.constant 0 : i32
        %dma_wait3A_398 = arith.constant 0 : i32
        %dma_wait3A_399 = arith.constant 0 : i32
        %dma_wait3A_400 = tpu.memref_slice %run_scoped3A[%rem3A_221, %dma_wait3A_397, %dma_wait3A_398, %dma_wait3A_399] : memref<2x4x1x50xi32, #tpu.memory_space<vmem>> -> memref<1x4x1x50xi32, #tpu.memory_space<vmem>>
        %dma_wait3A_401 = tpu.memref_squeeze %dma_wait3A_400 : memref<1x4x1x50xi32, #tpu.memory_space<vmem>> -> memref<4x1x50xi32, #tpu.memory_space<vmem>>
        %dma_wait3A_402 = arith.constant 0 : i32
        %dma_wait3A_403 = tpu.memref_slice %dma_wait3A_401[%dma_wait3A_385, %dma_wait3A_386, %dma_wait3A_402] : memref<4x1x50xi32, #tpu.memory_space<vmem>> -> memref<1x1x50xi32, #tpu.memory_space<vmem>>
        %dma_wait3A_404 = tpu.memref_squeeze %dma_wait3A_403 : memref<1x1x50xi32, #tpu.memory_space<vmem>> -> memref<50xi32, #tpu.memory_space<vmem>>
        %dma_wait3A_405 = arith.constant 0 : i32
        %dma_wait3A_406 = arith.constant 0 : i32
        %dma_wait3A_407 = tpu.memref_slice %arg5[%dma_wait3A_405, %dma_wait3A_406] : memref<4672x128xf32, #tpu.memory_space<vmem_shared>> -> memref<4672x128xf32, #tpu.memory_space<vmem_shared>>
        tpu.wait_indirect_dma semaphore(%arg6 : memref<!tpu.dma_semaphore, #tpu.memory_space<semaphore_mem>>) src(%dma_wait3A_407 : memref<4672x128xf32, #tpu.memory_space<vmem_shared>>) dst(%dma_wait3A_396 : memref<50x128xf32, #tpu.memory_space<vmem>>)
        "tpu.trace_stop"() : () -> ()
        %ne3A_408 = arith.cmpi ne, %add3A_143, %add3A_161 : i32
        %or3A_409 = arith.constant false
        %or3A_410 = arith.ori %or3A_409, %ne3A_408 : i1
        %or3A_411 = arith.constant false
        %or3A_412 = arith.ori %or3A_410, %or3A_411 : i1
        %or3A_413 = arith.constant false
        %or3A_414 = arith.ori %or3A_412, %or3A_413 : i1
        %or3A_415 = arith.ori %or3A_414, %eq3A_142 : i1
        %convert_element_type3A_416 = arith.extui %or3A_415 : i1 to i32
        %cond3A_417 = arith.constant 0 : i32
        %cond3A_418 = arith.cmpi ne, %convert_element_type3A_416, %cond3A_417 : i32
        scf.if %cond3A_418 {
        } else {
        }
        %and3A_419 = arith.constant false
        %and3A_420 = arith.andi %or3A_415, %and3A_419 : i1
        %ne3A_421 = arith.cmpi ne, %add3A_143, %add3A_161 : i32
        %or3A_422 = arith.constant false
        %or3A_423 = arith.ori %or3A_422, %ne3A_421 : i1
        %or3A_424 = arith.constant false
        %or3A_425 = arith.ori %or3A_423, %or3A_424 : i1
        %or3A_426 = arith.constant false
        %or3A_427 = arith.ori %or3A_425, %or3A_426 : i1
        %or3A_428 = arith.ori %or3A_427, %eq3A_142 : i1
        %convert_element_type3A_429 = arith.extui %or3A_428 : i1 to i32
        %cond3A_430 = arith.constant 0 : i32
        %cond3A_431 = arith.cmpi ne, %convert_element_type3A_429, %cond3A_430 : i32
        scf.if %cond3A_431 {
          "tpu.trace_start"() <{level = 10 : i32, message = "ep_copy_out"}> : () -> ()
          %rem3A_489 = arith.constant 2 : i32
          %rem3A_490 = arith.remui %scan3A_136, %rem3A_489 : i32
          %mul3A_491 = arith.constant 4 : i32
          %mul3A_492 = arith.muli %mul3A_491, %add3A_143 : i32
          %dma_start3A_493 = arith.constant 0 : i32
          %dma_start3A_494 = arith.constant 0 : i32
          %dma_start3A_495 = arith.constant 0 : i32
          %dma_start3A_496 = tpu.memref_slice %run_scoped3A_12[%rem3A_490, %dma_start3A_493, %dma_start3A_494, %dma_start3A_495] : memref<2x4x50x128xf32, #tpu.memory_space<vmem>> -> memref<1x4x50x128xf32, #tpu.memory_space<vmem>>
          %dma_start3A_497 = tpu.memref_squeeze %dma_start3A_496 : memref<1x4x50x128xf32, #tpu.memory_space<vmem>> -> memref<4x50x128xf32, #tpu.memory_space<vmem>>
          %dma_start3A_498 = arith.constant 0 : i32
          %dma_start3A_499 = arith.constant 0 : i32
          %dma_start3A_500 = tpu.memref_slice %arg4[%mul3A_492, %dma_start3A_498, %dma_start3A_499] : memref<4096x50x128xf32, #tpu.memory_space<hbm>> -> memref<4x50x128xf32, #tpu.memory_space<hbm>>
          %dma_start3A_501 = tpu.memref_slice %run_scoped3A_13[%rem3A_490] : memref<2x!tpu.dma_semaphore, #tpu.memory_space<semaphore_mem>> -> memref<1x!tpu.dma_semaphore, #tpu.memory_space<semaphore_mem>>
          %dma_start3A_502 = tpu.memref_squeeze %dma_start3A_501 : memref<1x!tpu.dma_semaphore, #tpu.memory_space<semaphore_mem>> -> memref<!tpu.dma_semaphore, #tpu.memory_space<semaphore_mem>>
          %dma_start3A_503 = arith.constant 0 : i32
          %dma_start3A_504 = arith.constant 0 : i32
          %dma_start3A_505 = tpu.memref_slice %arg4[%mul3A_492, %dma_start3A_503, %dma_start3A_504] : memref<4096x50x128xf32, #tpu.memory_space<hbm>> -> memref<4x50x128xf32, #tpu.memory_space<hbm>>
          %dma_start3A_506 = arith.constant 0 : i32
          %dma_start3A_507 = arith.constant 0 : i32
          %dma_start3A_508 = arith.constant 0 : i32
          %dma_start3A_509 = tpu.memref_slice %run_scoped3A_12[%rem3A_490, %dma_start3A_506, %dma_start3A_507, %dma_start3A_508] : memref<2x4x50x128xf32, #tpu.memory_space<vmem>> -> memref<1x4x50x128xf32, #tpu.memory_space<vmem>>
          %dma_start3A_510 = tpu.memref_squeeze %dma_start3A_509 : memref<1x4x50x128xf32, #tpu.memory_space<vmem>> -> memref<4x50x128xf32, #tpu.memory_space<vmem>>
          tpu.enqueue_dma source(%dma_start3A_510 : memref<4x50x128xf32, #tpu.memory_space<vmem>>) target(%dma_start3A_505 : memref<4x50x128xf32, #tpu.memory_space<hbm>>) target_semaphore(%dma_start3A_502 : memref<!tpu.dma_semaphore, #tpu.memory_space<semaphore_mem>>)
          "tpu.trace_stop"() : () -> ()
        } else {
        }
        %and3A_432 = arith.constant true
        %and3A_433 = arith.andi %or3A_428, %and3A_432 : i1
        %add3A_434 = arith.constant 1 : i32
        %add3A_435 = arith.addi %scan3A_136, %add3A_434 : i32
        %select_n3A_436 = arith.select %and3A_433, %add3A_435, %scan3A_136 : i32
        %ne3A_437 = arith.cmpi ne, %add3A_143, %add3A_152 : i32
        %or3A_438 = arith.constant false
        %or3A_439 = arith.ori %or3A_438, %ne3A_437 : i1
        %or3A_440 = arith.constant false
        %or3A_441 = arith.ori %or3A_439, %or3A_440 : i1
        %or3A_442 = arith.constant false
        %or3A_443 = arith.ori %or3A_441, %or3A_442 : i1
        %not3A_444 = arith.constant true
        %not3A_445 = arith.xori %eq3A_140, %not3A_444 : i1
        %and3A_446 = arith.andi %or3A_443, %not3A_445 : i1
        %convert_element_type3A_447 = arith.extui %and3A_446 : i1 to i32
        %cond3A_448 = arith.constant 0 : i32
        %cond3A_449 = arith.cmpi ne, %convert_element_type3A_447, %cond3A_448 : i32
        scf.if %cond3A_449 {
        } else {
        }
        %and3A_450 = arith.constant false
        %and3A_451 = arith.andi %and3A_446, %and3A_450 : i1
        %ne3A_452 = arith.cmpi ne, %add3A_143, %add3A_152 : i32
        %or3A_453 = arith.constant false
        %or3A_454 = arith.ori %or3A_453, %ne3A_452 : i1
        %or3A_455 = arith.constant false
        %or3A_456 = arith.ori %or3A_454, %or3A_455 : i1
        %or3A_457 = arith.constant false
        %or3A_458 = arith.ori %or3A_456, %or3A_457 : i1
        %not3A_459 = arith.constant true
        %not3A_460 = arith.xori %eq3A_140, %not3A_459 : i1
        %and3A_461 = arith.andi %or3A_458, %not3A_460 : i1
        %convert_element_type3A_462 = arith.extui %and3A_461 : i1 to i32
        %cond3A_463 = arith.constant 0 : i32
        %cond3A_464 = arith.cmpi ne, %convert_element_type3A_462, %cond3A_463 : i32
        scf.if %cond3A_464 {
          "tpu.trace_start"() <{level = 10 : i32, message = "ep_wait_out"}> : () -> ()
          %rem3A_489 = arith.constant 2 : i32
          %rem3A_490 = arith.remui %scan3A_137, %rem3A_489 : i32
          %mul3A_491 = arith.constant 4 : i32
          %mul3A_492 = arith.muli %mul3A_491, %add3A_152 : i32
          %dma_wait3A_493 = arith.constant 0 : i32
          %dma_wait3A_494 = arith.constant 0 : i32
          %dma_wait3A_495 = arith.constant 0 : i32
          %dma_wait3A_496 = tpu.memref_slice %run_scoped3A_12[%rem3A_490, %dma_wait3A_493, %dma_wait3A_494, %dma_wait3A_495] : memref<2x4x50x128xf32, #tpu.memory_space<vmem>> -> memref<1x4x50x128xf32, #tpu.memory_space<vmem>>
          %dma_wait3A_497 = tpu.memref_squeeze %dma_wait3A_496 : memref<1x4x50x128xf32, #tpu.memory_space<vmem>> -> memref<4x50x128xf32, #tpu.memory_space<vmem>>
          %dma_wait3A_498 = arith.constant 0 : i32
          %dma_wait3A_499 = arith.constant 0 : i32
          %dma_wait3A_500 = tpu.memref_slice %arg4[%mul3A_492, %dma_wait3A_498, %dma_wait3A_499] : memref<4096x50x128xf32, #tpu.memory_space<hbm>> -> memref<4x50x128xf32, #tpu.memory_space<hbm>>
          %dma_wait3A_501 = tpu.memref_slice %run_scoped3A_13[%rem3A_490] : memref<2x!tpu.dma_semaphore, #tpu.memory_space<semaphore_mem>> -> memref<1x!tpu.dma_semaphore, #tpu.memory_space<semaphore_mem>>
          %dma_wait3A_502 = tpu.memref_squeeze %dma_wait3A_501 : memref<1x!tpu.dma_semaphore, #tpu.memory_space<semaphore_mem>> -> memref<!tpu.dma_semaphore, #tpu.memory_space<semaphore_mem>>
          %dma_wait3A_503 = arith.constant 0 : i32
          %dma_wait3A_504 = arith.constant 0 : i32
          %dma_wait3A_505 = tpu.memref_slice %arg4[%mul3A_492, %dma_wait3A_503, %dma_wait3A_504] : memref<4096x50x128xf32, #tpu.memory_space<hbm>> -> memref<4x50x128xf32, #tpu.memory_space<hbm>>
          %dma_wait3A_506 = arith.constant 0 : i32
          %dma_wait3A_507 = arith.constant 0 : i32
          %dma_wait3A_508 = arith.constant 0 : i32
          %dma_wait3A_509 = tpu.memref_slice %run_scoped3A_12[%rem3A_490, %dma_wait3A_506, %dma_wait3A_507, %dma_wait3A_508] : memref<2x4x50x128xf32, #tpu.memory_space<vmem>> -> memref<1x4x50x128xf32, #tpu.memory_space<vmem>>
          %dma_wait3A_510 = tpu.memref_squeeze %dma_wait3A_509 : memref<1x4x50x128xf32, #tpu.memory_space<vmem>> -> memref<4x50x128xf32, #tpu.memory_space<vmem>>
          tpu.wait_dma2 semaphore(%dma_wait3A_502 : memref<!tpu.dma_semaphore, #tpu.memory_space<semaphore_mem>>) src(%dma_wait3A_510 : memref<4x50x128xf32, #tpu.memory_space<vmem>>) dst(%dma_wait3A_505 : memref<4x50x128xf32, #tpu.memory_space<hbm>>)
          "tpu.trace_stop"() : () -> ()
        } else {
        }
        %and3A_465 = arith.constant true
        %and3A_466 = arith.andi %and3A_461, %and3A_465 : i1
        %add3A_467 = arith.constant 1 : i32
        %add3A_468 = arith.addi %scan3A_137, %add3A_467 : i32
        %select_n3A_469 = arith.select %and3A_466, %add3A_468, %scan3A_137 : i32
        %ne3A_470 = arith.cmpi ne, %add3A_143, %add3A_161 : i32
        %or3A_471 = arith.constant false
        %or3A_472 = arith.ori %or3A_471, %ne3A_470 : i1
        %or3A_473 = arith.constant false
        %or3A_474 = arith.ori %or3A_472, %or3A_473 : i1
        %or3A_475 = arith.constant false
        %or3A_476 = arith.ori %or3A_474, %or3A_475 : i1
        %or3A_477 = arith.ori %or3A_476, %eq3A_142 : i1
        %add3A_478 = arith.constant 1 : i32
        %add3A_479 = arith.addi %scan3A_135, %add3A_478 : i32
        %select_n3A_480 = arith.select %or3A_477, %add3A_479, %scan3A_135 : i32
        %add3A_481 = arith.constant 1 : i32
        %add3A_482 = arith.addi %scan3A_138, %add3A_481 : i32
        %select_n3A_483 = arith.constant true
        %select_n3A_484 = arith.select %select_n3A_483, %add3A_482, %scan3A_138 : i32
        %eq3A_485 = arith.constant 32 : i32
        %eq3A_486 = arith.cmpi eq, %select_n3A_484, %eq3A_485 : i32
        %select_n3A_487 = arith.constant 0 : i32
        %select_n3A_488 = arith.select %eq3A_486, %select_n3A_487, %select_n3A_484 : i32
        scf.yield %select_n3A_185, %select_n3A_480, %select_n3A_436, %select_n3A_469, %select_n3A_488 : i32, i32, i32, i32, i32
      }
      %scan3A_76 = arith.constant 32 : i32
      %sub3A = arith.constant 1 : i32
      %sub3A_77 = arith.subi %scan3A_75#4, %sub3A : i32
      %select_n3A_78 = arith.constant true
      %select_n3A_79 = arith.select %select_n3A_78, %sub3A_77, %scan3A_75#4 : i32
      %eq3A_80 = arith.constant -1 : i32
      %eq3A_81 = arith.cmpi eq, %select_n3A_79, %eq3A_80 : i32
      %select_n3A_82 = arith.constant 31 : i32
      %select_n3A_83 = arith.select %eq3A_81, %select_n3A_82, %select_n3A_79 : i32
      %add3A_84 = arith.addi %select_n3A_83, %mul3A_10 : i32
      %sub3A_85 = arith.constant 1 : i32
      %sub3A_86 = arith.subi %select_n3A_83, %sub3A_85 : i32
      %select_n3A_87 = arith.constant true
      %select_n3A_88 = arith.select %select_n3A_87, %sub3A_86, %select_n3A_83 : i32
      %eq3A_89 = arith.constant -1 : i32
      %eq3A_90 = arith.cmpi eq, %select_n3A_88, %eq3A_89 : i32
      %select_n3A_91 = arith.constant 31 : i32
      %select_n3A_92 = arith.select %eq3A_90, %select_n3A_91, %select_n3A_88 : i32
      %add3A_93 = arith.addi %select_n3A_92, %mul3A_10 : i32
      %add3A_94 = arith.constant 1 : i32
      %add3A_95 = arith.addi %select_n3A_83, %add3A_94 : i32
      %select_n3A_96 = arith.constant true
      %select_n3A_97 = arith.select %select_n3A_96, %add3A_95, %select_n3A_83 : i32
      %eq3A_98 = arith.constant 32 : i32
      %eq3A_99 = arith.cmpi eq, %select_n3A_97, %eq3A_98 : i32
      %select_n3A_100 = arith.constant 0 : i32
      %select_n3A_101 = arith.select %eq3A_99, %select_n3A_100, %select_n3A_97 : i32
      %add3A_102 = arith.addi %select_n3A_101, %mul3A_10 : i32
      %add3A_103 = arith.constant 1 : i32
      %add3A_104 = arith.addi %select_n3A_101, %add3A_103 : i32
      %select_n3A_105 = arith.constant true
      %select_n3A_106 = arith.select %select_n3A_105, %add3A_104, %select_n3A_101 : i32
      %eq3A_107 = arith.constant 32 : i32
      %eq3A_108 = arith.cmpi eq, %select_n3A_106, %eq3A_107 : i32
      %select_n3A_109 = arith.constant 0 : i32
      %select_n3A_110 = arith.select %eq3A_108, %select_n3A_109, %select_n3A_106 : i32
      %add3A_111 = arith.addi %select_n3A_110, %mul3A_10 : i32
      "tpu.trace_start"() <{level = 10 : i32, message = "ep_finalize"}> : () -> ()
      %rem3A_112 = arith.constant 2 : i32
      %rem3A_113 = arith.remui %scan3A_75#3, %rem3A_112 : i32
      %mul3A_114 = arith.constant 4 : i32
      %mul3A_115 = arith.muli %mul3A_114, %add3A_84 : i32
      %dma_wait3A = arith.constant 0 : i32
      %dma_wait3A_116 = arith.constant 0 : i32
      %dma_wait3A_117 = arith.constant 0 : i32
      %dma_wait3A_118 = tpu.memref_slice %run_scoped3A_12[%rem3A_113, %dma_wait3A, %dma_wait3A_116, %dma_wait3A_117] : memref<2x4x50x128xf32, #tpu.memory_space<vmem>> -> memref<1x4x50x128xf32, #tpu.memory_space<vmem>>
      %dma_wait3A_119 = tpu.memref_squeeze %dma_wait3A_118 : memref<1x4x50x128xf32, #tpu.memory_space<vmem>> -> memref<4x50x128xf32, #tpu.memory_space<vmem>>
      %dma_wait3A_120 = arith.constant 0 : i32
      %dma_wait3A_121 = arith.constant 0 : i32
      %dma_wait3A_122 = tpu.memref_slice %arg4[%mul3A_115, %dma_wait3A_120, %dma_wait3A_121] : memref<4096x50x128xf32, #tpu.memory_space<hbm>> -> memref<4x50x128xf32, #tpu.memory_space<hbm>>
      %dma_wait3A_123 = tpu.memref_slice %run_scoped3A_13[%rem3A_113] : memref<2x!tpu.dma_semaphore, #tpu.memory_space<semaphore_mem>> -> memref<1x!tpu.dma_semaphore, #tpu.memory_space<semaphore_mem>>
      %dma_wait3A_124 = tpu.memref_squeeze %dma_wait3A_123 : memref<1x!tpu.dma_semaphore, #tpu.memory_space<semaphore_mem>> -> memref<!tpu.dma_semaphore, #tpu.memory_space<semaphore_mem>>
      %dma_wait3A_125 = arith.constant 0 : i32
      %dma_wait3A_126 = arith.constant 0 : i32
      %dma_wait3A_127 = tpu.memref_slice %arg4[%mul3A_115, %dma_wait3A_125, %dma_wait3A_126] : memref<4096x50x128xf32, #tpu.memory_space<hbm>> -> memref<4x50x128xf32, #tpu.memory_space<hbm>>
      %dma_wait3A_128 = arith.constant 0 : i32
      %dma_wait3A_129 = arith.constant 0 : i32
      %dma_wait3A_130 = arith.constant 0 : i32
      %dma_wait3A_131 = tpu.memref_slice %run_scoped3A_12[%rem3A_113, %dma_wait3A_128, %dma_wait3A_129, %dma_wait3A_130] : memref<2x4x50x128xf32, #tpu.memory_space<vmem>> -> memref<1x4x50x128xf32, #tpu.memory_space<vmem>>
      %dma_wait3A_132 = tpu.memref_squeeze %dma_wait3A_131 : memref<1x4x50x128xf32, #tpu.memory_space<vmem>> -> memref<4x50x128xf32, #tpu.memory_space<vmem>>
      tpu.wait_dma2 semaphore(%dma_wait3A_124 : memref<!tpu.dma_semaphore, #tpu.memory_space<semaphore_mem>>) src(%dma_wait3A_132 : memref<4x50x128xf32, #tpu.memory_space<vmem>>) dst(%dma_wait3A_127 : memref<4x50x128xf32, #tpu.memory_space<hbm>>)
      "tpu.trace_stop"() : () -> ()
      tpu.yield
    }) : () -> ()
    return
  }
}

</mosaic_0001>

<sc_bundles>
// kernel: kernel.3.cloned.1.call-start
scs
__scs_entry_jumppad:
0x0: {  	(pc) =	sbr.rel $0x88, $3  }
0x1: {  	(tag) =	ssettag $0x0;
	lr =	simm.s32 $0x1  }
0x2: {  	[smem:$0x3F9F] =	sst lr;
	_ =	strace $0xD0000000  }
0x3: {  	_ = 	snop  }
0x4: {  	_ = 	snop  }
0x5: {  	_ = 	snop  }
0x6: {  	_ = 	snop  }
0x7: {  	_ = 	snop  }
__scs_overlays_trampoline_lowered:
0x8: {  	[smem:$0x3FAE] =	sst s0  }
0x9: {  	[smem:$0x3FAF] =	sst s1  }
0xa: {  	[smem:$0x3FB0] =	sst s2  }
0xb: {  	[smem:$0x3FB1] =	sst s3  }
0xc: {  	[smem:$0x3FB2] =	sst s4  }
0xd: {  	[smem:$0x3FB3] =	sst s5  }
0xe: {  	[smem:$0x3FB4] =	sst s6  }
0xf: {  	[smem:$0x3FB5] =	sst s7  }
0x10: {  	[smem:$0x3FB6] =	sst s8  }
0x11: {  	[smem:$0x3FB7] =	sst s9;
	s0 =	simm.s32 @!p0 $0x0  }
0x12: {  	s1 =	sld [smem:$0x3F9D];
	s0 =	simm.s32 @p0 $0x1  }
0x13: {  	[smem:$0x3FB8] =	sst s0;
	s0 =	simm.s32 @!p1 $0x0  }
0x14: {  	s2 =	sld [smem:$0x3F9C];
	s0 =	simm.s32 @p1 $0x1  }
0x15: {  	[smem:$0x3FB9] =	sst s0;
	s0 =	simm.s32 @!p2 $0x0  }
0x16: {  	s3 =	sld [smem:$0x3FDB];
	s0 =	simm.s32 @p2 $0x1  }
0x17: {  	s4 =	simm.s32 $0x1BF5;
	[smem:$0x3FBB] =	sst s0  }
0x18: {  	s0 =	sld [smem:$0x3F9E];
	_ =	swait.ge [sflag:s4], $0x0  }
0x19: {  	s7 =	sld [smem:$0x3F9F]  }
0x1a: {  	s8 =	sadd.s32 $0xFFFFE003, lr  }
0x1b: {  	s9 =	sadd.s32 $0xFFFFFEF7, lr;
	s5 =	simm.s32 $0xFFFFFFFF;
	p2 =	slt.u32 s8, $0xFFFFF086  }
0x1c: {  	p1 =	slt.u32 s9, $0xF7A;
	s5 =	simm.s32 @!p2 $0x0  }
0x1d: {  	s5 =	simm.s32 @p1 $0x1;
	p0 =	seq.s32 s7, s2  }
0x1e: {  	s7 =	smul.u32 @!p0 $0xF7A, s2;
	p2 =	seq.s32 @!p0 s5, $0x0  }
0x1f: {  	s9 =	smul.u32 $0xF7A, s1;
	s8 =	simm.s32 @!p0 $0x1BF5;
	p2 =	por !p2, p0  }
0x20: {  	[sflag:s8] =	ssyncset.s32 @!p0 $0xFFFFF086;
	s6 =	sadd.s32 @!p0 s3, s7;
	s7 =	simm.s32 @!p0 $0x108  }
0x21: {  	s3 =	sadd.s32 s3, s9;
	s6 =	sadd.s32 @!p0 $0x88, s6;
	s7 =	simm.s32 @p2 $0x1082  }
0x22: {  	[simem:s7], [sflag:s8] =	dma.local @!p0 [hbm:s6], $0xF7A  }
0x23: {  	s9 =	sor.u32 $0xD0000000, s2;
	s6 =	simm.s32 $0x108;
	_ =	swait.ge @!p0 [sflag:s8], $0x0  }
0x24: {  	s3 =	sadd.s32 $0x88, s3;
	s6 =	simm.s32 @!p1 $0x1082;
	[sflag:s4] =	ssyncset.s32 $0xFFFFF086  }
0x25: {  	[simem:s6], [sflag:s4] =	dma.local [hbm:s3], $0xF7A  }
0x26: {  	[smem:$0x3F9F] =	sst s1;
	(tag) =	ssettag s2;
	_ =	strace s9  }
0x27: {  	s1 =	sld [smem:$0x3FAF]  }
0x28: {  	s2 =	sld [smem:$0x3FB0]  }
0x29: {  	s4 =	sld [smem:$0x3FB2]  }
0x2a: {  	p0 =	seq.s32 s5, $0x0;
	s5 =	sld [smem:$0x3FB3]  }
0x2b: {  	s6 =	sld [smem:$0x3FB4]  }
0x2c: {  	s7 =	sld [smem:$0x3FB5]  }
0x2d: {  	s3 =	simm.s32 $0x108;
	s8 =	sld [smem:$0x3FB6]  }
0x2e: {  	s3 =	simm.s32 @!p0 $0x1082;
	s9 =	sld [smem:$0x3FB7]  }
0x2f: {  	lr =	sadd.s32 s0, s3;
	s0 =	sld [smem:$0x3FAE]  }
0x30: {  	s3 =	sld [smem:$0x3FB1]  }
0x31: {  	[smem:$0x3FBA] =	sst s10  }
0x32: {  	s10 =	sld [smem:$0x3FB8];
	_ =	sdelay $0x3  }
0x33: {  	p0 =	seq.s32 s10, $0x1;
	s10 =	sld [smem:$0x3FBA];
	_ =	sdelay $0x3  }
0x34: {  	[smem:$0x3FBA] =	sst s10  }
0x35: {  	s10 =	sld [smem:$0x3FB9];
	_ =	sdelay $0x3  }
0x36: {  	p1 =	seq.s32 s10, $0x1;
	s10 =	sld [smem:$0x3FBA];
	_ =	sdelay $0x3  }
0x37: {  	[smem:$0x3FBA] =	sst s10  }
0x38: {  	s10 =	sld [smem:$0x3FBB]  }
0x39: {  	_ = 	snop;
	(pc) =	sbr.ind lr, $3  }
0x3a: {  	_ = 	snop  }
0x3b: {  	_ = 	snop  }
0x3c: {  	p2 =	seq.s32 s10, $0x1;
	s10 =	sld [smem:$0x3FBA]  }
0x3d: {  	_ =	shalt  }
0x3e: {  	_ =	shalt  }
0x3f: {  	_ =	shalt  }
0x40: {  	_ =	shalt  }
0x41: {  	_ =	shalt  }
0x42: {  	_ =	shalt  }
0x43: {  	_ =	shalt  }
0x44: {  	_ =	shalt  }
0x45: {  	_ =	shalt  }
0x46: {  	_ =	shalt  }
0x47: {  	_ =	shalt  }
0x48: {  	_ =	shalt  }
0x49: {  	_ =	shalt  }
0x4a: {  	_ =	shalt  }
0x4b: {  	_ =	shalt  }
0x4c: {  	_ =	shalt  }
0x4d: {  	_ =	shalt  }
0x4e: {  	_ =	shalt  }
0x4f: {  	_ =	shalt  }
0x50: {  	_ =	shalt  }
0x51: {  	_ =	shalt  }
0x52: {  	_ =	shalt  }
0x53: {  	_ =	shalt  }
0x54: {  	_ =	shalt  }
0x55: {  	_ =	shalt  }
0x56: {  	_ =	shalt  }
0x57: {  	_ =	shalt  }
0x58: {  	_ =	shalt  }
0x59: {  	_ =	shalt  }
0x5a: {  	_ =	shalt  }
0x5b: {  	_ =	shalt  }
0x5c: {  	_ =	shalt  }
0x5d: {  	_ =	shalt  }
0x5e: {  	_ =	shalt  }
0x5f: {  	_ =	shalt  }
0x60: {  	_ =	shalt  }
0x61: {  	_ =	shalt  }
0x62: {  	_ =	shalt  }
0x63: {  	_ =	shalt  }
0x64: {  	_ =	shalt  }
0x65: {  	_ =	shalt  }
0x66: {  	_ =	shalt  }
0x67: {  	_ =	shalt  }
0x68: {  	_ =	shalt  }
0x69: {  	_ =	shalt  }
0x6a: {  	_ =	shalt  }
0x6b: {  	_ =	shalt  }
0x6c: {  	_ =	shalt  }
0x6d: {  	_ =	shalt  }
0x6e: {  	_ =	shalt  }
0x6f: {  	_ =	shalt  }
0x70: {  	_ =	shalt  }
0x71: {  	_ =	shalt  }
0x72: {  	_ =	shalt  }
0x73: {  	_ =	shalt  }
0x74: {  	_ =	shalt  }
0x75: {  	_ =	shalt  }
0x76: {  	_ =	shalt  }
0x77: {  	_ =	shalt  }
0x78: {  	_ =	shalt  }
0x79: {  	_ =	shalt  }
0x7a: {  	_ =	shalt  }
0x7b: {  	_ =	shalt  }
0x7c: {  	_ =	shalt  }
0x7d: {  	_ =	shalt  }
0x7e: {  	_ =	shalt  }
0x7f: {  	_ =	shalt  }
0x80: {  	_ =	shalt  }
0x81: {  	_ =	shalt  }
0x82: {  	_ =	shalt  }
0x83: {  	_ =	shalt  }
0x84: {  	_ =	shalt  }
0x85: {  	_ =	shalt  }
0x86: {  	_ =	shalt  }
0x87: {  	_ =	shalt  }
.Lfunc_end0:
.L_simem_size_0:
called_computation_lowered:
.L_overlay_start_0:
0x88: {  	s2 =	sld [smem:$0x3FD9]  }
0x89: {  	s3 =	sld [smem:$0x3FFE];
	_ =	sdelay $0x1  }
0x8a: {  	s1 =	srdreg.scid  }
0x8b: {  	s0 =	sand.u32 $0x1, s1  }
0x8c: {  	s17 =	sshll.u32 s0, $0xA;
	s2 =	sadd.s32 s3, s2  }
0x8d: {  	s2 =	sadd.s32 s2, s17  }
0x8e: {  	[smem:$0x3FC6] =	sst s2  }
0x8f: {  	_ = 	snop  }
0x90: {  	s2 =	sld [smem:$0x3FC8]  }
0x91: {  	s18 =	sld [smem:$0x3FD0];
	(tm) =	ssettm $0x1  }
0x92: {  	s4 =	sld [smem:$0x3FFB];
	_ =	sdelay $0x3  }
0x93: {  	_ =	strace s4  }
0x94: {  	s4 =	sld [smem:$0x3FFC];
	_ =	sdelay $0x3  }
0x95: {  	_ =	strace s4  }
0x96: {  	s4 =	sld [smem:$0x3FFD];
	_ =	sdelay $0x3  }
0x97: {  	_ =	strace s4  }
0x98: {  	_ =	strace $0x8FFFFFFF  }
0x99: {  	s19 =	sld [smem:$0x3FDB];
	_ =	sdelay $0x1  }
0x9a: {  	s5 =	simm.s32 $_scs_section_size  }
0x9b: {  	s6 =	simm.s32 $_size__tile_overlayer_lowered;
	s7 =	simm.s32 $_tile_overlayer_lowered  }
0x9c: {  	s22 =	simm.s32 $0x1BFF;
	s21 =	sshll.u32 s7, $0x1;
	s4 =	sadd.s32 s5, s19  }
0x9d: {  	s8 =	simm.s32 $0x0;
	s20 =	sshll.u32 s6, $0x1;
	s6 =	sadd.s32 s21, s4  }
0x9e: {  	[timem:s8], [sflag:s22] =	dma.local [hbm:s6], s20  }
0x9f: {  	_ =	swait.ge [sflag:s22], s20  }
0xa0: {  	s5 =	ssub.s32 $0x0, s20;
	[sflag:s22] =	ssyncset.done $0x0  }
0xa1: {  	[sflag:s22] =	ssyncadd.s32 s5;
	_ =	sdelay $0x1  }
0xa2: {  	s23 =	simm.s32 $0x1B8B  }
0xa3: {  	_ =	swait.ge [sflag:s23], $0x1  }
0xa4: {  	[sflag:s23] =	ssyncset.done $0x0  }
0xa5: {  	s25 =	simm.s32 $0x1B8E;
	s24 =	sld [smem:$0x3FFE];
	[sflag:s23] =	ssyncadd.s32 $0xFFFFFFFF  }
0xa6: {  	s26 =	simm.s32 $execute0_lowered;
	[smem:$0x3FD2] =	sst s25  }
0xa7: {  	s6 =	sshll.u32 s26, $0x1;
	_ =	strace $0x80000046;
	[dreg:$0x1] =	wrdreg $0xFFFFFFFF  }
0xa8: {  	s28 =	simm.s32 $_size_execute0_lowered;
	s4 =	sadd.s32 s4, s6;
	[dreg:$0x0] =	wrdreg $0x0  }
0xa9: {  	s6 =	sshll.u32 s28, $0x1;
	[dreg:$0x2] =	wrdreg s4  }
0xaa: {  	[dreg:$0x3] =	wrdreg s6  }
0xab: {  	[dreg:$0x4] =	wrdreg $0xC0  }
0xac: {  	_ =	task [dreg:s8], $0x5FFFF  }
0xad: {  	[dreg:$0x1] =	wrdreg $0xFFFFFFFF  }
0xae: {  	[dreg:$0x0] =	wrdreg $0x60  }
0xaf: {  	[dreg:$0x2] =	wrdreg s2  }
0xb0: {  	[dreg:$0x3] =	wrdreg s18  }
0xb1: {  	[dreg:$0x4] =	wrdreg s24  }
0xb2: {  	[dreg:$0x5] =	wrdreg $0x0  }
0xb3: {  	[dreg:$0x6] =	wrdreg $0x9  }
0xb4: {  	_ =	task.clear_ibuf [dreg:s8], $0x7FFFF;
	_ =	strace $0x90000046  }
0xb5: {  	s29 =	simm.s32 $0x9;
	_ =	strace $0x8000004F  }
0xb6: {  	_ =	swait.ge [sflag:s29], $0x1  }
0xb7: {  	[sflag:s29] =	ssyncadd.s32 $0xFFFFFFFF  }
0xb8: {  	_ =	strace $0x9000004F  }
0xb9: {  	_ =	sfence  }
0xba: {  	s30 =	sld [smem:$0x0];
	_ =	sdelay $0x2  }
0xbb: {  	s31 =	sshll.u32 s1, $0xD;
	s1 =	sshrl.u32 s1, $0x2  }
0xbc: {  	s3 =	sand.u32 $0x4000, s31;
	s1 =	sadd.s32 s1, s30  }
0xbd: {  	s0 =	sor.u32 s3, s0;
	s1 =	sshll.u32 s1, $0x11  }
0xbe: {  	s0 =	sor.u32 s1, s0  }
0xbf: {  	s0 =	sadd.s32 $0x8F2B, s0  }
0xc0: {  	[sflag:s0] =	ssyncadd.remote.s32 $0x1  }
0xc1: {  	_ =	sfence.sel $0xFFFF  }
0xc2: {  	[dreg:$0x0] =	wrdreg $0xFFFFFFFF;
	(pc) =	sbr.abs _section_cstart, $3  }
0xc3: {  	[dreg:$0x1] =	wrdreg $0xFFFFFFFF  }
0xc4: {  	_ =	task.clear_ibuf [dreg:s8], $0x2FFFF;
	_ =	strace $0x9FFFFFFF  }
0xc5: {  	(tm) =	ssettm $0x7FFFFFFF  }
tec
execute0_lowered:
.L_overlay_start_1:
0x0: {  	(tag) =	ssettag $0x1  }
0x1: {  	s0 =	rddreg [dreg:$0x0]  }
0x2: {  	s1 =	rddreg [dreg:$0x1]  }
0x3: {  	s2 =	rddreg [dreg:$0x2]  }
0x4: {  	s3 =	rddreg [dreg:$0x3];
	s4 =	simm.s32 $0x0;
	s5 =	srdreg.scid  }
0x5: {  	s12 =	stileid.u32;
	s15 =	simm.s32 $0x1;
	s16 =	simm.s32 $0x32  }
0x6: {  	s17 =	simm.s32 $0x5;
	s18 =	simm.s32 $0x0;
	[smem:$0x7FF] =	sst s4  }
0x7: {  	s7 =	sand.u32 $0x1, s5;
	s22 =	smul.u32 $0x24000, s12;
	s2 =	sadd.s32 $0x400, s2  }
0x8: {  	s9 =	smul.u32 $0x1200, s12;
	s25 =	sshll.u32 s12, $0x6;
	s26 =	sshll.u32 s12, $0x3  }
0x9: {  	p0 =	sgt.u32 s12, $0x7;
	_ =	strace $0x80000047;
	s6 =	ssub.s32 $0x2, s7  }
0xa: {  	[dreg:$0x5] =	wrdreg s2;
	s7 =	sshll.u32 s7, $0x4;
	s8 =	sshrl.u32 s6, $0x1  }
0xb: {  	s5 =	sshrl.u32 s22, $0x2;
	s24 =	sadd.s32 s0, s9;
	s10 =	sor.u32 s12, s7  }
0xc: {  	s23 =	ssub.s32 s6, s8;
	s11 =	sadd.s32 s5, s3;
	s8 =	sor.u32 $0x1200, s26  }
0xd: {  	[dreg:$0x6] =	wrdreg s24;
	s28 =	sshll.u32 s8, $0x7;
	s30 =	smax.u32 s23, $0x1  }
0xe: {  	s8 =	sshll.u32 s8, $0x4;
	s31 =	sshrl.u32 s11, $0x3;
	[dreg:$0x9] =	wrdreg s30  }
0xf: {  	s29 =	sshll.u32 s10, $0xB;
	s0 =	sadd.s32 s0, s8;
	[dreg:$0xa] =	wrdreg s31  }
0x10: {  	s13 =	sadd.s32 s28, s3;
	[dreg:$0x7] =	wrdreg s0;
	s0 =	sadd.s32 s1, s29  }
0x11: {  	s12 =	simm.s32 $0x2;
	[dreg:$0x8] =	wrdreg s0;
	s0 =	sshrl.u32 @!p0 s13, $0x3  }
0x12: {  	s6 =	sor.u32 $0x1C02, s25;
	s8 =	sshll.u32 s10, $0x5;
	[dreg:$0xb] =	wrdreg s0  }
.LBB2_1:
0x13: {  	s0 =	rddreg [dreg:$0x6]  }
0x14: {  	s2 =	rddreg [dreg:$0xa]  }
0x15: {  	[spmem:s2], [sflag:s6] =	dma.local [hbm:s0], $0x1200  }
0x16: {  	_ =	swait.ge [sflag:s12], $0x1200  }
0x17: {  	s19 =	simm.s32 $0x1;
	[sflag:s12] =	ssyncset.done $0x0;
	s0 =	rddreg [dreg:$0x7]  }
0x18: {  	p1 =	por $0x0, $0x0;
	s2 =	rddreg [dreg:$0xb];
	[sflag:s12] =	ssyncadd.s32 $0xFFFFEE00  }
0x19: {  	[spmem:s2], [sflag:s6] =	dma.local @!p0 [hbm:s0], $0x80  }
0x1a: {  	s19 =	simm.s32 @p1 $0x0;
	s0 =	simm.s32 @!p0 $0x2  }
0x1b: {  	p2 =	por $0x1, $0x1;
	p1 =	sne.s32 s19, $0x0;
	_ =	swait.ge @!p0 [sflag:s0], $0x80  }
0x1c: {  	p2 =	por !p2, !p1;
	[sflag:s0] =	ssyncset.done @!p0 $0x0  }
0x1d: {  	p4 =	por !p2, !p2;
	[sflag:s0] =	ssyncadd.s32 @!p0 $0xFFFFFF80  }
0x1e: {  	s10 =	simm.s32 $0x9200;
	s2 =	sand.u32 @p4 $0x1, s15;
	[bflag:$0x0] =	sbarrier.arrive $0xFFFF  }
0x1f: {  	s20 =	simm.s32 @p4 $0x0;
	s0 =	sadd.s32 @p4 s8, s19;
	_ =	strace $0x80000048  }
0x20: {  	s14 =	sshll.u32 @p4 s2, $0x9;
	s0 =	sshll.u32 @p4 s0, $0x6;
	s9 =	rddreg [dreg:$0x8]  }
0x21: {  	[tilespmem:s10], [sflag:$0x2] =	stream.linear.gather [hbm4b:s9+s4], $0x200, $0x200038;
	[tilespmem:$0x15E00] =	vst v63  }
0x22: {  	s2 =	sor.u32 @p4 $0x2, s2;
	s0 =	sand.u32 @p4 $0x1FFFFFC0, s0;
	_ =	strace $0x90000048  }
0x23: {  	s14 =	sadd.s32 @p4 $0x9200, s14;
	s0 =	sadd.s32 @p4 s1, s0;
	_ =	strace @p4 $0x80000049  }
0x24: {  	[tilespmem:s14], [sflag:s2] =	stream.linear.gather @p4 [hbm4b:s0+s20], $0x200, $0x200038;
	[tilespmem:$0x15E00] =	vst v63  }
0x25: {  	s23 =	sand.u32 $0x1, s4;
	_ =	strace @p4 $0x90000049  }
0x26: {  	s11 =	sor.u32 $0x2, s23;
	_ =	strace $0x8000004A  }
0x27: {  	_ =	swait.ge [sflag:s11], $0x200  }
0x28: {  	p5 =	por $0x0, $0x0;
	s13 =	smul.u32 $0x19000, s23;
	[sflag:s11] =	ssyncset.done $0x0  }
0x29: {  	p6 =	por p5, p1;
	s20 =	simm.s32 $0x0;
	[sflag:s11] =	ssyncadd.s32 $0xFFFFFE00  }
0x2a: {  	s2 =	sshrl.u32 s13, $0x2;
	s21 =	sand.u32 $0x200, s20;
	_ =	strace $0x9000004A  }
0x2b: {  	s28 =	sadd.s32 $0x9600, s2;
	s14 =	sadd.s32 $0x9200, s21;
	_ =	strace $0x8000004B  }
0x2c: {  	[tilespmem:s28], [sflag:$0x1] =	stream.indirect.gather [spmem:s3], $0x80, s14, s16, $0x2000b8;
	[tilespmem:$0x15E00] =	vst v63  }
0x2d: {  	p5 =	por $0x1, $0x1;
	s22 =	sadd.s32 $0xAF00, s2;
	s24 =	sadd.s32 $0x9280, s21  }
0x2e: {  	[tilespmem:s22], [sflag:$0x1] =	stream.indirect.gather [spmem:s3], $0x80, s24, s16, $0x2000b8;
	[tilespmem:$0x15E00] =	vst v63  }
0x2f: {  	p2 =	por $0x1, $0x1;
	s25 =	sadd.s32 $0xC800, s2;
	s26 =	sadd.s32 $0x9300, s21  }
0x30: {  	[tilespmem:s25], [sflag:$0x1] =	stream.indirect.gather [spmem:s3], $0x80, s26, s16, $0x2000b8;
	[tilespmem:$0x15E00] =	vst v63  }
0x31: {  	p3 =	por p2, p2;
	s2 =	sadd.s32 $0xE100, s2;
	s0 =	sadd.s32 $0x9380, s21  }
0x32: {  	[tilespmem:s2], [sflag:$0x1] =	stream.indirect.gather [spmem:s3], $0x80, s0, s16, $0x2000b8;
	[tilespmem:$0x15E00] =	vst v63  }
0x33: {  	s20 =	simm.s32 $0x1F;
	s14 =	simm.s32 $0x1;
	_ =	swait.ge [sflag:s15], $0x1900  }
0x34: {  	s14 =	simm.s32 @!p4 $0x0;
	p4 =	por $0x0, $0x0;
	[sflag:s15] =	ssyncset.done $0x0  }
0x35: {  	s22 =	simm.s32 $0x1E;
	s29 =	sadd.s32 $0x1, s14;
	[sflag:s15] =	ssyncadd.s32 $0xFFFFE700  }
0x36: {  	s24 =	simm.s32 $0x0;
	s25 =	sadd.s32 $0x1, s19;
	_ =	swait.ge [sflag:s15], $0x1900  }
0x37: {  	s26 =	simm.s32 $0x0;
	s0 =	sand.u32 @!p2 $0x1, s4;
	[sflag:s15] =	ssyncset.done $0x0  }
0x38: {  	p2 =	por $0x0, $0x0;
	s2 =	simm.s32 $0x1;
	[sflag:s15] =	ssyncadd.s32 $0xFFFFE700  }
0x39: {  	s30 =	sor.u32 @!p3 $0x4, s0;
	s0 =	sadd.s32 $0x0, s8;
	_ =	swait.ge [sflag:s15], $0x1900  }
0x3a: {  	s2 =	simm.s32 @!p4 $0x0;
	p4 =	seq.s32 s25, $0x20;
	[sflag:s15] =	ssyncset.done $0x0  }
0x3b: {  	s21 =	sadd.s32 $0x0, s2;
	s25 =	simm.s32 @p4 $0x0;
	[sflag:s15] =	ssyncadd.s32 $0xFFFFE700  }
0x3c: {  	s2 =	simm.s32 $0x1;
	p1 =	sne.s32 s19, s25;
	_ =	swait.ge [sflag:s15], $0x1900  }
0x3d: {  	s31 =	smul.u32 @p6 $0x7000, s0;
	p4 =	por !p5, !p1;
	[sflag:s15] =	ssyncset.done $0x0  }
0x3e: {  	s2 =	simm.s32 @!p6 $0x0;
	p4 =	por !p4, !p4;
	[sflag:s15] =	ssyncadd.s32 $0xFFFFE700  }
0x3f: {  	s14 =	sand.u32 @p4 $0x1, s29;
	s0 =	sadd.s32 @p4 s8, s25;
	_ =	strace $0x9000004B  }
.LBB2_2:
0x40: {  	s5 =	sshll.u32 @p4 s0, $0x6  }
0x41: {  	_ =	strace @p6 $0x8000004C;
	s0 =	smov.u32 s19;
	s19 =	sshll.u32 @p4 s14, $0x9  }
0x42: {  	s24 =	sadd.s32 s2, s24;
	s11 =	simm.s32 @p6 $0x1C00;
	s26 =	sadd.s32 s2, s26  }
0x43: {  	s2 =	sor.u32 @p6 $0x4, s23;
	s7 =	sshrl.u32 @p6 s31, $0x3;
	s9 =	rddreg [dreg:$0x5]  }
0x44: {  	s10 =	sadd.s32 @p4 $0x9200, s19;
	s19 =	simm.s32 @p6 $0x1900;
	s7 =	sadd.s32 @p6 s9, s7  }
0x45: {  	[hbm4b:s7+s19] =	stream.strided.scatter @p6 [tilespmem:s28], [sflag:s2], $0x6400, s11, s19, $0x200038;
	[tilespmem:$0x15E00] =	vst v63  }
0x46: {  	_ =	strace @p6 $0x9000004C  }
0x47: {  	_ =	strace @!p3 $0x8000004D  }
0x48: {  	_ =	swait.ge @!p3 [sflag:s30], $0x6400  }
0x49: {  	[sflag:s30] =	ssyncset.done @!p3 $0x0  }
0x4a: {  	s5 =	sand.u32 @p4 $0x1FFFFFC0, s5;
	s9 =	sshll.u32 s26, $0x9;
	[sflag:s30] =	ssyncadd.s32 @!p3 $0xFFFF9C00  }
0x4b: {  	s5 =	sadd.s32 @p4 s1, s5;
	s7 =	sand.u32 $0x200, s9;
	_ =	strace @!p3 $0x9000004D  }
0x4c: {  	s9 =	sor.u32 @p4 $0x2, s14;
	s11 =	simm.s32 @p4 $0x0;
	_ =	strace @p4 $0x80000049  }
0x4d: {  	[tilespmem:s10], [sflag:s9] =	stream.linear.gather @p4 [hbm4b:s5+s11], $0x200, $0x200038;
	[tilespmem:$0x15E00] =	vst v63  }
0x4e: {  	s13 =	sand.u32 $0x1, s26;
	_ =	strace @p4 $0x90000049  }
0x4f: {  	s11 =	sor.u32 $0x2, s13;
	_ =	strace $0x8000004A  }
0x50: {  	s23 =	sand.u32 $0x1, s24;
	_ =	swait.ge [sflag:s11], $0x200  }
0x51: {  	s13 =	smul.u32 $0x19000, s23;
	[sflag:s11] =	ssyncset.done $0x0  }
0x52: {  	s31 =	smov.u32 s20;
	s20 =	smov.u32 s22;
	[sflag:s11] =	ssyncadd.s32 $0xFFFFFE00  }
0x53: {  	s22 =	sadd.s32 $0xFFFFFFFF, s22;
	s5 =	sshrl.u32 s13, $0x2;
	_ =	strace $0x9000004A  }
0x54: {  	s14 =	sadd.s32 $0x9200, s7;
	s28 =	sadd.s32 $0x9600, s5;
	_ =	strace $0x8000004B  }
0x55: {  	[tilespmem:s28], [sflag:$0x1] =	stream.indirect.gather [spmem:s3], $0x80, s14, s16, $0x2000b8;
	[tilespmem:$0x15E00] =	vst v63  }
0x56: {  	s0 =	sadd.s32 s8, s0;
	s10 =	sadd.s32 $0xAF00, s5;
	s11 =	sadd.s32 $0x9280, s7  }
0x57: {  	[tilespmem:s10], [sflag:$0x1] =	stream.indirect.gather [spmem:s3], $0x80, s11, s16, $0x2000b8;
	[tilespmem:$0x15E00] =	vst v63  }
0x58: {  	p5 =	sne.s32 s22, $0x0;
	s13 =	sadd.s32 $0xC800, s5;
	s14 =	sadd.s32 $0x9300, s7  }
0x59: {  	[tilespmem:s13], [sflag:$0x1] =	stream.indirect.gather [spmem:s3], $0x80, s14, s16, $0x2000b8;
	[tilespmem:$0x15E00] =	vst v63  }
0x5a: {  	s2 =	sand.u32 @!p2 $0x1, s21;
	s5 =	sadd.s32 $0xE100, s5;
	s7 =	sadd.s32 $0x9380, s7  }
0x5b: {  	[tilespmem:s5], [sflag:$0x1] =	stream.indirect.gather [spmem:s3], $0x80, s7, s16, $0x2000b8;
	[tilespmem:$0x15E00] =	vst v63  }
0x5c: {  	s19 =	smov.u32 s25;
	p6 =	seq.s32 s31, $0x1;
	_ =	swait.ge [sflag:s15], $0x1900  }
0x5d: {  	s25 =	sadd.s32 $0x1, s25;
	p6 =	por p6, p1;
	[sflag:s15] =	ssyncset.done $0x0  }
0x5e: {  	p3 =	por p2, p2;
	p2 =	seq.s32 s20, $0x20;
	[sflag:s15] =	ssyncadd.s32 $0xFFFFE700  }
0x5f: {  	s30 =	sor.u32 @!p3 $0x4, s2;
	s5 =	simm.s32 $0x1;
	_ =	swait.ge [sflag:s15], $0x1900  }
0x60: {  	s2 =	simm.s32 $0x1;
	s5 =	simm.s32 @!p4 $0x0;
	[sflag:s15] =	ssyncset.done $0x0  }
0x61: {  	p4 =	sne.s32 s31, $0x20;
	s31 =	smul.u32 @p6 $0x7000, s0;
	[sflag:s15] =	ssyncadd.s32 $0xFFFFE700  }
0x62: {  	s2 =	simm.s32 @!p4 $0x0;
	p4 =	seq.s32 s25, $0x20;
	_ =	swait.ge [sflag:s15], $0x1900  }
0x63: {  	s29 =	sadd.s32 s5, s29;
	s21 =	sadd.s32 s2, s21;
	[sflag:s15] =	ssyncset.done $0x0  }
.Ltmp0:
0x64: {  	s25 =	simm.s32 @p4 $0x0;
	[sflag:s15] =	ssyncadd.s32 $0xFFFFE700;
	(pc) =	sbr.rel @p5 .LBB2_2-.Ltmp0, $4  }
0x65: {  	p4 =	sne.s32 s20, $0x1;
	p1 =	sne.s32 s19, s25;
	_ =	swait.ge [sflag:s15], $0x1900  }
0x66: {  	s2 =	simm.s32 $0x1;
	p4 =	por !p4, !p1;
	[sflag:s15] =	ssyncset.done $0x0  }
0x67: {  	s2 =	simm.s32 @!p6 $0x0;
	p4 =	por !p4, !p4;
	[sflag:s15] =	ssyncadd.s32 $0xFFFFE700  }
0x68: {  	s14 =	sand.u32 @p4 $0x1, s29;
	s0 =	sadd.s32 @p4 s8, s25;
	_ =	strace $0x9000004B  }
0x69: {  	_ =	strace @p6 $0x8000004C  }
0x6a: {  	s7 =	sshrl.u32 @p6 s31, $0x3;
	s9 =	simm.s32 @p6 $0x1900;
	s5 =	rddreg [dreg:$0x5]  }
0x6b: {  	s10 =	simm.s32 @p6 $0x1C00;
	s11 =	sor.u32 @p6 $0x4, s23;
	s5 =	sadd.s32 @p6 s5, s7  }
0x6c: {  	[hbm4b:s5+s9] =	stream.strided.scatter @p6 [tilespmem:s28], [sflag:s11], $0x6400, s10, s9, $0x200038;
	[tilespmem:$0x15E00] =	vst v63  }
0x6d: {  	_ =	strace @p6 $0x9000004C  }
0x6e: {  	_ =	strace @!p3 $0x8000004D  }
0x6f: {  	s0 =	sshll.u32 @p4 s0, $0x6;
	_ =	swait.ge @!p3 [sflag:s30], $0x6400  }
0x70: {  	s0 =	sand.u32 @p4 $0x1FFFFFC0, s0;
	[sflag:s30] =	ssyncset.done @!p3 $0x0  }
0x71: {  	s13 =	sadd.s32 s2, s26;
	s0 =	sadd.s32 @p4 s1, s0;
	[sflag:s30] =	ssyncadd.s32 @!p3 $0xFFFF9C00  }
0x72: {  	s5 =	sshll.u32 @p4 s14, $0x9;
	s9 =	sor.u32 @p4 $0x2, s14;
	_ =	strace @!p3 $0x9000004D  }
0x73: {  	s10 =	simm.s32 @p4 $0x0;
	s5 =	sadd.s32 @p4 $0x9200, s5;
	_ =	strace @p4 $0x80000049  }
0x74: {  	[tilespmem:s5], [sflag:s9] =	stream.linear.gather @p4 [hbm4b:s0+s10], $0x200, $0x200038;
	[tilespmem:$0x15E00] =	vst v63  }
0x75: {  	s14 =	sand.u32 $0x1, s13;
	_ =	strace @p4 $0x90000049  }
0x76: {  	s22 =	sadd.s32 s2, s24;
	s0 =	sor.u32 $0x2, s14;
	_ =	strace $0x8000004A  }
0x77: {  	s2 =	sand.u32 $0x1, s22;
	_ =	swait.ge [sflag:s0], $0x200  }
0x78: {  	s23 =	smul.u32 $0x19000, s2;
	[sflag:s0] =	ssyncset.done $0x0  }
0x79: {  	s7 =	sshll.u32 s13, $0x9;
	[sflag:s0] =	ssyncadd.s32 $0xFFFFFE00  }
0x7a: {  	s24 =	sand.u32 $0x200, s7;
	s5 =	sshrl.u32 s23, $0x2;
	_ =	strace $0x9000004A  }
0x7b: {  	s25 =	sadd.s32 $0x9200, s24;
	s7 =	sadd.s32 $0x9600, s5;
	_ =	strace $0x8000004B  }
0x7c: {  	[tilespmem:s7], [sflag:$0x1] =	stream.indirect.gather [spmem:s3], $0x80, s25, s16, $0x2000b8;
	[tilespmem:$0x15E00] =	vst v63  }
0x7d: {  	s28 =	sadd.s32 $0x9280, s24;
	s26 =	sadd.s32 $0xAF00, s5  }
0x7e: {  	[tilespmem:s26], [sflag:$0x1] =	stream.indirect.gather [spmem:s3], $0x80, s28, s16, $0x2000b8;
	[tilespmem:$0x15E00] =	vst v63  }
0x7f: {  	s30 =	sadd.s32 $0x9300, s24;
	s29 =	sadd.s32 $0xC800, s5  }
0x80: {  	[tilespmem:s29], [sflag:$0x1] =	stream.indirect.gather [spmem:s3], $0x80, s30, s16, $0x2000b8;
	[tilespmem:$0x15E00] =	vst v63  }
0x81: {  	s5 =	sadd.s32 $0xE100, s5;
	s0 =	sadd.s32 $0x9380, s24  }
0x82: {  	[tilespmem:s5], [sflag:$0x1] =	stream.indirect.gather [spmem:s3], $0x80, s0, s16, $0x2000b8;
	[tilespmem:$0x15E00] =	vst v63  }
0x83: {  	_ =	swait.ge [sflag:s15], $0x1900  }
0x84: {  	[sflag:s15] =	ssyncset.done $0x0  }
0x85: {  	[sflag:s15] =	ssyncadd.s32 $0xFFFFE700  }
0x86: {  	_ =	swait.ge [sflag:s15], $0x1900  }
0x87: {  	[sflag:s15] =	ssyncset.done $0x0  }
0x88: {  	[sflag:s15] =	ssyncadd.s32 $0xFFFFE700  }
0x89: {  	_ =	swait.ge [sflag:s15], $0x1900  }
0x8a: {  	[sflag:s15] =	ssyncset.done $0x0  }
0x8b: {  	[sflag:s15] =	ssyncadd.s32 $0xFFFFE700  }
0x8c: {  	_ =	swait.ge [sflag:s15], $0x1900  }
0x8d: {  	p6 =	seq.s32 s20, $0x1;
	[sflag:s15] =	ssyncset.done $0x0  }
0x8e: {  	p1 =	por p6, p1;
	s0 =	sadd.s32 s8, s19;
	[sflag:s15] =	ssyncadd.s32 $0xFFFFE700  }
0x8f: {  	s0 =	smul.u32 @p1 $0x7000, s0;
	_ =	strace $0x9000004B  }
0x90: {  	_ =	strace @p1 $0x8000004C  }
0x91: {  	s2 =	sor.u32 @p1 $0x4, s2;
	s0 =	sshrl.u32 @p1 s0, $0x3;
	s5 =	rddreg [dreg:$0x5]  }
0x92: {  	s9 =	simm.s32 @p1 $0x1900;
	s10 =	simm.s32 @p1 $0x1C00;
	s0 =	sadd.s32 @p1 s5, s0  }
0x93: {  	[hbm4b:s0+s9] =	stream.strided.scatter @p1 [tilespmem:s7], [sflag:s2], $0x6400, s10, s9, $0x200038;
	[tilespmem:$0x15E00] =	vst v63  }
0x94: {  	s0 =	sand.u32 @!p2 $0x1, s21;
	p2 =	por p2, p2;
	_ =	strace @p1 $0x9000004C  }
0x95: {  	s0 =	sor.u32 @!p2 $0x4, s0;
	_ =	strace @!p2 $0x8000004D  }
0x96: {  	_ =	swait.ge @!p2 [sflag:s0], $0x6400  }
0x97: {  	[sflag:s0] =	ssyncset.done @!p2 $0x0  }
0x98: {  	[sflag:s0] =	ssyncadd.s32 @!p2 $0xFFFF9C00  }
0x99: {  	_ =	strace @!p2 $0x9000004D  }
0x9a: {  	_ =	strace $0x8000004E  }
0x9b: {  	_ =	swait.ge [sflag:s17], $0x6400  }
0x9c: {  	s18 =	sadd.s32 $0x1, s18;
	s31 =	rddreg [dreg:$0x9]  }
0x9d: {  	p1 =	sne.s32 s18, s31  }
.Ltmp1:
0x9e: {  	_ = 	snop;
	(pc) =	sbr.rel @p1 .LBB2_1-.Ltmp1, $4  }
0x9f: {  	_ = 	snop  }
0xa0: {  	[sflag:s17] =	ssyncset.done $0x0  }
0xa1: {  	[sflag:s17] =	ssyncadd.s32 $0xFFFF9C00  }
0xa2: {  	_ =	strace $0x9000004E  }
0xa3: {  	_ =	sfence.sel $0x180000  }
0xa4: {  	[bflag:$0x0] =	sbarrier.arrive $0xFFFF  }
0xa5: {  	_ =	strace $0x90000047  }
0xa6: {  	s0 =	stileid.u32;
	[bflag:$0x2] =	sbarrier.arrive $0xFFFF  }
0xa7: {  	p0 =	sne.s32 s0, $0x0;
	s0 =	rddreg [dreg:$0x4]  }
0xa8: {  	s0 =	sadd.s32 @!p0 $0x100000, s0  }
0xa9: {  	[sflag:s0] =	ssyncadd.tile.s32 @!p0 $0x1;
	_ =	shalt  }
.Lfunc_end2:
_tile_overlayer_lowered:
.L_overlay_start_2:
0xaa: {  	(tag) =	ssettag $0x2  }
0xab: {  	s0 =	rddreg [dreg:$0x0];
	s2 =	stileid.u32  }
0xac: {  	s1 =	rddreg [dreg:$0x1];
	p0 =	sne.s32 s2, $0x0  }
0xad: {  	s3 =	rddreg [dreg:$0x2];
	[bflag:$0x3] =	sbarrier.arrive $0xFFFF;
	s2 =	simm.s32 @!p0 $0x1C02  }
0xae: {  	[timem:s3], [sflag:s2] =	dma.local @!p0 [hbm:s0], s1  }
0xaf: {  	s0 =	simm.s32 @!p0 $0x2  }
0xb0: {  	_ =	swait.ge @!p0 [sflag:s0], s1  }
0xb1: {  	s1 =	ssub.s32 @!p0 $0x0, s1;
	[sflag:s0] =	ssyncset.done @!p0 $0x0  }
0xb2: {  	[sflag:s0] =	ssyncadd.s32 @!p0 s1  }
0xb3: {  	[bflag:$0x3] =	sbarrier.arrive $0xFFFF  }
0xb4: {  	_ =	shalt  }

</sc_bundles>
